<compile_context>
chip_gen: v7x
topology: tpu7x:2x2x1
jax: 0.10.2.dev20260603
libtpu: 0.0.44.dev20260713+nightly
codegen_flags: <defaults>
</compile_context>

<pallas_src>
import functools

import jax
import jax.numpy as jnp
from jax import lax
from jax.experimental import pallas as pl
from jax.experimental.pallas import tpu as pltpu
from jax.experimental.pallas import tpu_sc as plsc

M = 524288
C = 57
NC = 2
NS = 16
NW = NC * NS
ROWS_W = M // NW
RB = 512
NCH = ROWS_W // RB
NG = RB // 16
CHW = RB * C

_LN2 = 0.6931471805599453
_SQRT2 = 1.4142135623730951


def _ln(s):
    bits = plsc.bitcast(s, jnp.int32)
    e = (bits >> 23) - 127
    m = plsc.bitcast((bits & 0x007FFFFF) | 0x3F800000, jnp.float32)
    big = m >= _SQRT2
    m = jnp.where(big, m * 0.5, m)
    e = e + jnp.where(big, 1, 0)
    t = (m - 1.0) / (m + 1.0)
    t2 = t * t
    lnm = t * (2.0 + t2 * (2.0 / 3.0 + t2 * (2.0 / 5.0 + t2 * (2.0 / 7.0))))
    return e.astype(jnp.float32) * _LN2 + lnm


def _sc_body(logits_hbm, labels_hbm, out_hbm, xbuf, lbuf, accv, xsem, lsem):
    wid = lax.axis_index("s") * NC + lax.axis_index("c")
    row0 = wid * ROWS_W
    base_w = row0 * C

    pltpu.make_async_copy(
        labels_hbm.at[pl.ds(row0, ROWS_W)], lbuf, lsem
    ).start()
    pltpu.make_async_copy(
        logits_hbm.at[pl.ds(base_w, CHW)], xbuf.at[pl.ds(0, CHW)], xsem.at[0]
    ).start()
    pltpu.make_async_copy(
        labels_hbm.at[pl.ds(row0, ROWS_W)], lbuf, lsem
    ).wait()

    lane = lax.broadcasted_iota(jnp.int32, (16,), 0)

    def chunk_body(ch, acc):
        slot = lax.rem(ch, 2)
        nslot = lax.rem(ch + 1, 2)

        @pl.when(ch + 1 < NCH)
        def _start_next():
            pltpu.make_async_copy(
                logits_hbm.at[pl.ds(base_w + (ch + 1) * CHW, CHW)],
                xbuf.at[pl.ds(nslot * CHW, CHW)], xsem.at[nslot],
            ).start()

        pltpu.make_async_copy(
            logits_hbm.at[pl.ds(base_w + ch * CHW, CHW)],
            xbuf.at[pl.ds(slot * CHW, CHW)], xsem.at[slot],
        ).wait()

        sbase = slot * CHW

        def group_body(g, acc_g):
            rbase = sbase + g * (16 * C) + lane * C
            labs = lbuf[pl.ds(ch * RB + g * 16, 16)]
            ll = plsc.load_gather(xbuf, [rbase + labs])
            s = jnp.zeros((16,), jnp.float32)
            for j in range(C):
                v = plsc.load_gather(xbuf, [rbase + j])
                s = s + jnp.exp(v - ll)
            pt = 1.0 / s
            ce = _ln(s)
            omp = 1.0 - pt
            return acc_g + omp * omp * ce

        return lax.fori_loop(0, NG, group_body, acc)

    acc = lax.fori_loop(0, NCH, chunk_body, jnp.zeros((16,), jnp.float32))
    accv[...] = acc
    pltpu.sync_copy(accv, out_hbm.at[wid])


@jax.jit
def kernel(logits, labels):
    mesh = plsc.VectorSubcoreMesh(core_axis_name="c", subcore_axis_name="s")
    partials = functools.partial(
        pl.kernel,
        mesh=mesh,
        compiler_params=pltpu.CompilerParams(needs_layout_passes=False),
        out_type=jax.ShapeDtypeStruct((NW, 16), jnp.float32),
        scratch_types=[
            pltpu.VMEM((2 * CHW,), jnp.float32),
            pltpu.VMEM((ROWS_W,), jnp.int32),
            pltpu.VMEM((16,), jnp.float32),
            pltpu.SemaphoreType.DMA((2,)),
            pltpu.SemaphoreType.DMA,
        ],
    )(_sc_body)(logits.reshape(M * C), labels)
    return jnp.sum(partials) / jnp.float32(M)

# --- scband reference (transcript-rebuilt; emitter-appended) ---
"""Pipeline reference for scband-psgcriterion-79714593013996 (READ-ONLY COPY).

The authoritative reference and input builder live on the scoring server;
editing this copy changes nothing except your own understanding.
"""

import jax, jax.numpy as jnp
import numpy as np

M = 524288
C = 57
FOCAL_GAMMA = 2

def setup_inputs(seed: int = 0) -> dict:
    key = jax.random.key(seed)
    k1, k2 = jax.random.split(key)
    logits = jax.random.normal(k1, (M, C), dtype=jnp.float32)
    labels = jax.random.randint(k2, (M,), 0, C, dtype=jnp.int32)
    return {"logits": logits, "labels": labels}

def reference(logits, labels):
    # PSGCriterion with bg_sampling_ratio=1.0 and hard_pos_ratio=1.0:
    # - bg downsampling keeps ALL background indices (randperm is a full permutation),
    # - hard positive mining branch is skipped (hard_pos_ratio < 1.0 is False),
    # so keep_idx is a permutation of arange(M) and the final focal.mean() is
    # permutation-invariant -> compute focal CE over all M elements.
    # Cross entropy per element (no class weights, reduction='none'):
    logZ = jax.nn.logsumexp(logits, axis=-1)
    ll = jnp.take_along_axis(logits, labels[:, None].astype(jnp.int32), axis=1).squeeze(1)
    ce = logZ - ll
    pt = jnp.exp(-ce)
    focal = (1.0 - pt) ** FOCAL_GAMMA * ce
    return focal.mean()

if __name__ == "__main__":
    import jax
    _d = setup_inputs()
    print(jax.jit(kernel)(*tuple(_d.values())))

</pallas_src>

<mosaic_0001>
#map = affine_map<(d0, d1) -> (0)>
#map1 = affine_map<(d0, d1) -> (0, 0)>
module attributes {stable_mosaic.version = 14 : i64} {
  func.func @_sc_body(%arg0: i32, %arg1: i32, %arg2: memref<29884416xf32, #tpu.memory_space<hbm>>, %arg3: memref<524288xi32, #tpu.memory_space<hbm>>, %arg4: memref<32x16xf32, #tpu.memory_space<hbm>>, %arg5: memref<58368xf32, #tpu.memory_space<vmem>>, %arg6: memref<16384xi32, #tpu.memory_space<vmem>>, %arg7: memref<16xf32, #tpu.memory_space<vmem>>, %arg8: memref<2x!tpu.dma_semaphore, #tpu.memory_space<semaphore_mem>>, %arg9: memref<!tpu.dma_semaphore, #tpu.memory_space<semaphore_mem>>) attributes {dimension_semantics = [#tpu.dimension_semantics<core_parallel>, #tpu.dimension_semantics<subcore_parallel>], iteration_bounds = array<i64: 2, 16>, scalar_prefetch = 0 : i64, scratch_operands = 5 : i64, tpu.core_type = #tpu.core_type<sc_vector_subcore>, window_params = [{transform_indices = #map}, {transform_indices = #map}, {transform_indices = #map1}]} {
    %mul3A = arith.constant 2 : i32
    %mul3A_0 = arith.muli %arg1, %mul3A : i32
    %add3A = arith.addi %mul3A_0, %arg0 : i32
    %mul3A_1 = arith.constant 16384 : i32
    %mul3A_2 = arith.muli %add3A, %mul3A_1 : i32
    %mul3A_3 = arith.constant 57 : i32
    %mul3A_4 = arith.muli %mul3A_2, %mul3A_3 : i32
    %dma_start3A = tpu.memref_slice %arg3[%mul3A_2] : memref<524288xi32, #tpu.memory_space<hbm>> -> memref<16384xi32, #tpu.memory_space<hbm>>
    %dma_start3A_5 = tpu.memref_slice %arg3[%mul3A_2] : memref<524288xi32, #tpu.memory_space<hbm>> -> memref<16384xi32, #tpu.memory_space<hbm>>
    tpu.enqueue_dma source(%dma_start3A_5 : memref<16384xi32, #tpu.memory_space<hbm>>) target(%arg6 : memref<16384xi32, #tpu.memory_space<vmem>>) target_semaphore(%arg9 : memref<!tpu.dma_semaphore, #tpu.memory_space<semaphore_mem>>)
    %dma_start3A_6 = arith.constant 0 : i32
    %dma_start3A_7 = arith.constant 0 : i32
    %dma_start3A_8 = tpu.memref_slice %arg5[%dma_start3A_7] : memref<58368xf32, #tpu.memory_space<vmem>> -> memref<29184xf32, #tpu.memory_space<vmem>>
    %dma_start3A_9 = tpu.memref_slice %arg2[%mul3A_4] : memref<29884416xf32, #tpu.memory_space<hbm>> -> memref<29184xf32, #tpu.memory_space<hbm>>
    %dma_start3A_10 = tpu.memref_slice %arg8[%dma_start3A_6] : memref<2x!tpu.dma_semaphore, #tpu.memory_space<semaphore_mem>> -> memref<1x!tpu.dma_semaphore, #tpu.memory_space<semaphore_mem>>
    %dma_start3A_11 = tpu.memref_squeeze %dma_start3A_10 : memref<1x!tpu.dma_semaphore, #tpu.memory_space<semaphore_mem>> -> memref<!tpu.dma_semaphore, #tpu.memory_space<semaphore_mem>>
    %dma_start3A_12 = arith.constant 0 : i32
    %dma_start3A_13 = tpu.memref_slice %arg5[%dma_start3A_12] : memref<58368xf32, #tpu.memory_space<vmem>> -> memref<29184xf32, #tpu.memory_space<vmem>>
    %dma_start3A_14 = tpu.memref_slice %arg2[%mul3A_4] : memref<29884416xf32, #tpu.memory_space<hbm>> -> memref<29184xf32, #tpu.memory_space<hbm>>
    tpu.enqueue_dma source(%dma_start3A_14 : memref<29184xf32, #tpu.memory_space<hbm>>) target(%dma_start3A_13 : memref<29184xf32, #tpu.memory_space<vmem>>) target_semaphore(%dma_start3A_11 : memref<!tpu.dma_semaphore, #tpu.memory_space<semaphore_mem>>)
    %dma_wait3A = tpu.memref_slice %arg3[%mul3A_2] : memref<524288xi32, #tpu.memory_space<hbm>> -> memref<16384xi32, #tpu.memory_space<hbm>>
    %dma_wait3A_15 = tpu.memref_slice %arg3[%mul3A_2] : memref<524288xi32, #tpu.memory_space<hbm>> -> memref<16384xi32, #tpu.memory_space<hbm>>
    tpu.wait_dma2 semaphore(%arg9 : memref<!tpu.dma_semaphore, #tpu.memory_space<semaphore_mem>>) src(%dma_wait3A_15 : memref<16384xi32, #tpu.memory_space<hbm>>) dst(%arg6 : memref<16384xi32, #tpu.memory_space<vmem>>)
    %iota3A = tpu.iota {dimensions = array<i32: 0>} : vector<16xi32>
    %broadcast_in_dim3A = arith.constant 0.000000e+00 : f32
    %broadcast_in_dim3A_16 = vector.broadcast %broadcast_in_dim3A : f32 to vector<16xf32>
    %scan3A = arith.constant 0 : i32
    %scan3A_17 = arith.constant 32 : i32
    %scan3A_18 = arith.addi %scan3A, %scan3A_17 : i32
    %scan3A_19 = arith.constant 1 : i32
    %scan3A_20 = scf.for %scan3A_23 = %scan3A to %scan3A_18 step %scan3A_19 iter_args(%scan3A_24 = %broadcast_in_dim3A_16) -> (vector<16xf32>)  : i32 {
      %rem3A = arith.constant 2 : i32
      %rem3A_25 = arith.remsi %scan3A_23, %rem3A : i32
      %add3A_26 = arith.constant 1 : i32
      %add3A_27 = arith.addi %scan3A_23, %add3A_26 : i32
      %rem3A_28 = arith.constant 2 : i32
      %rem3A_29 = arith.remsi %add3A_27, %rem3A_28 : i32
      %add3A_30 = arith.constant 1 : i32
      %add3A_31 = arith.addi %scan3A_23, %add3A_30 : i32
      %lt3A = arith.constant 32 : i32
      %lt3A_32 = arith.cmpi slt, %add3A_31, %lt3A : i32
      %convert_element_type3A = arith.extui %lt3A_32 : i1 to i32
      %cond3A = arith.constant 0 : i32
      %cond3A_33 = arith.cmpi ne, %convert_element_type3A, %cond3A : i32
      scf.if %cond3A_33 {
        %add3A_53 = arith.constant 1 : i32
        %add3A_54 = arith.addi %scan3A_23, %add3A_53 : i32
        %mul3A_55 = arith.constant 29184 : i32
        %mul3A_56 = arith.muli %add3A_54, %mul3A_55 : i32
        %add3A_57 = arith.addi %mul3A_4, %mul3A_56 : i32
        %mul3A_58 = arith.constant 29184 : i32
        %mul3A_59 = arith.muli %rem3A_29, %mul3A_58 : i32
        %dma_start3A_60 = tpu.memref_slice %arg5[%mul3A_59] : memref<58368xf32, #tpu.memory_space<vmem>> -> memref<29184xf32, #tpu.memory_space<vmem>>
        %dma_start3A_61 = tpu.memref_slice %arg2[%add3A_57] : memref<29884416xf32, #tpu.memory_space<hbm>> -> memref<29184xf32, #tpu.memory_space<hbm>>
        %dma_start3A_62 = tpu.memref_slice %arg8[%rem3A_29] : memref<2x!tpu.dma_semaphore, #tpu.memory_space<semaphore_mem>> -> memref<1x!tpu.dma_semaphore, #tpu.memory_space<semaphore_mem>>
        %dma_start3A_63 = tpu.memref_squeeze %dma_start3A_62 : memref<1x!tpu.dma_semaphore, #tpu.memory_space<semaphore_mem>> -> memref<!tpu.dma_semaphore, #tpu.memory_space<semaphore_mem>>
        %dma_start3A_64 = tpu.memref_slice %arg5[%mul3A_59] : memref<58368xf32, #tpu.memory_space<vmem>> -> memref<29184xf32, #tpu.memory_space<vmem>>
        %dma_start3A_65 = tpu.memref_slice %arg2[%add3A_57] : memref<29884416xf32, #tpu.memory_space<hbm>> -> memref<29184xf32, #tpu.memory_space<hbm>>
        tpu.enqueue_dma source(%dma_start3A_65 : memref<29184xf32, #tpu.memory_space<hbm>>) target(%dma_start3A_64 : memref<29184xf32, #tpu.memory_space<vmem>>) target_semaphore(%dma_start3A_63 : memref<!tpu.dma_semaphore, #tpu.memory_space<semaphore_mem>>)
      } else {
      }
      %mul3A_34 = arith.constant 29184 : i32
      %mul3A_35 = arith.muli %scan3A_23, %mul3A_34 : i32
      %add3A_36 = arith.addi %mul3A_4, %mul3A_35 : i32
      %mul3A_37 = arith.constant 29184 : i32
      %mul3A_38 = arith.muli %rem3A_25, %mul3A_37 : i32
      %dma_wait3A_39 = tpu.memref_slice %arg5[%mul3A_38] : memref<58368xf32, #tpu.memory_space<vmem>> -> memref<29184xf32, #tpu.memory_space<vmem>>
      %dma_wait3A_40 = tpu.memref_slice %arg2[%add3A_36] : memref<29884416xf32, #tpu.memory_space<hbm>> -> memref<29184xf32, #tpu.memory_space<hbm>>
      %dma_wait3A_41 = tpu.memref_slice %arg8[%rem3A_25] : memref<2x!tpu.dma_semaphore, #tpu.memory_space<semaphore_mem>> -> memref<1x!tpu.dma_semaphore, #tpu.memory_space<semaphore_mem>>
      %dma_wait3A_42 = tpu.memref_squeeze %dma_wait3A_41 : memref<1x!tpu.dma_semaphore, #tpu.memory_space<semaphore_mem>> -> memref<!tpu.dma_semaphore, #tpu.memory_space<semaphore_mem>>
      %dma_wait3A_43 = tpu.memref_slice %arg5[%mul3A_38] : memref<58368xf32, #tpu.memory_space<vmem>> -> memref<29184xf32, #tpu.memory_space<vmem>>
      %dma_wait3A_44 = tpu.memref_slice %arg2[%add3A_36] : memref<29884416xf32, #tpu.memory_space<hbm>> -> memref<29184xf32, #tpu.memory_space<hbm>>
      tpu.wait_dma2 semaphore(%dma_wait3A_42 : memref<!tpu.dma_semaphore, #tpu.memory_space<semaphore_mem>>) src(%dma_wait3A_44 : memref<29184xf32, #tpu.memory_space<hbm>>) dst(%dma_wait3A_43 : memref<29184xf32, #tpu.memory_space<vmem>>)
      %mul3A_45 = arith.constant 29184 : i32
      %mul3A_46 = arith.muli %rem3A_25, %mul3A_45 : i32
      %scan3A_47 = arith.constant 0 : i32
      %scan3A_48 = arith.constant 32 : i32
      %scan3A_49 = arith.addi %scan3A_47, %scan3A_48 : i32
      %scan3A_50 = arith.constant 1 : i32
      %scan3A_51 = scf.for %scan3A_53 = %scan3A_47 to %scan3A_49 step %scan3A_50 iter_args(%scan3A_54 = %scan3A_24) -> (vector<16xf32>)  : i32 {
        %mul3A_55 = arith.constant 912 : i32
        %mul3A_56 = arith.muli %scan3A_53, %mul3A_55 : i32
        %add3A_57 = arith.addi %mul3A_46, %mul3A_56 : i32
        %mul3A_58 = arith.constant 57 : i32
        %mul3A_59 = vector.broadcast %mul3A_58 : i32 to vector<16xi32>
        %mul3A_60 = arith.muli %iota3A, %mul3A_59 : vector<16xi32>
        %add3A_61 = vector.broadcast %add3A_57 : i32 to vector<16xi32>
        %add3A_62 = arith.addi %add3A_61, %mul3A_60 : vector<16xi32>
        %mul3A_63 = arith.constant 512 : i32
        %mul3A_64 = arith.muli %scan3A_23, %mul3A_63 : i32
        %mul3A_65 = arith.constant 16 : i32
        %mul3A_66 = arith.muli %scan3A_53, %mul3A_65 : i32
        %add3A_67 = arith.addi %mul3A_64, %mul3A_66 : i32
        %get3A = arith.index_cast %add3A_67 : i32 to index
        %get3A_68 = tpu.vector_load %arg6[%get3A] {strides = array<i32>} : memref<16384xi32, #tpu.memory_space<vmem>>, vector<16xi32>,
        %add3A_69 = arith.addi %add3A_62, %get3A_68 : vector<16xi32>
        %gather3A = tpu.vector_load_idx %arg5[%add3A_69] : memref<58368xf32, #tpu.memory_space<vmem>>[vector<16xi32>], vector<16xf32>,
        %broadcast_in_dim3A_70 = arith.constant 0.000000e+00 : f32
        %broadcast_in_dim3A_71 = vector.broadcast %broadcast_in_dim3A_70 : f32 to vector<16xf32>
        %add3A_72 = arith.constant 0 : i32
        %add3A_73 = vector.broadcast %add3A_72 : i32 to vector<16xi32>
        %add3A_74 = arith.addi %add3A_62, %add3A_73 : vector<16xi32>
        %gather3A_75 = tpu.vector_load_idx %arg5[%add3A_74] : memref<58368xf32, #tpu.memory_space<vmem>>[vector<16xi32>], vector<16xf32>,
        %sub3A = arith.subf %gather3A_75, %gather3A : vector<16xf32>
        %exp3A = math.exp %sub3A : vector<16xf32>
        %add3A_76 = arith.addf %broadcast_in_dim3A_71, %exp3A : vector<16xf32>
        %add3A_77 = arith.constant 1 : i32
        %add3A_78 = vector.broadcast %add3A_77 : i32 to vector<16xi32>
        %add3A_79 = arith.addi %add3A_62, %add3A_78 : vector<16xi32>
        %gather3A_80 = tpu.vector_load_idx %arg5[%add3A_79] : memref<58368xf32, #tpu.memory_space<vmem>>[vector<16xi32>], vector<16xf32>,
        %sub3A_81 = arith.subf %gather3A_80, %gather3A : vector<16xf32>
        %exp3A_82 = math.exp %sub3A_81 : vector<16xf32>
        %add3A_83 = arith.addf %add3A_76, %exp3A_82 : vector<16xf32>
        %add3A_84 = arith.constant 2 : i32
        %add3A_85 = vector.broadcast %add3A_84 : i32 to vector<16xi32>
        %add3A_86 = arith.addi %add3A_62, %add3A_85 : vector<16xi32>
        %gather3A_87 = tpu.vector_load_idx %arg5[%add3A_86] : memref<58368xf32, #tpu.memory_space<vmem>>[vector<16xi32>], vector<16xf32>,
        %sub3A_88 = arith.subf %gather3A_87, %gather3A : vector<16xf32>
        %exp3A_89 = math.exp %sub3A_88 : vector<16xf32>
        %add3A_90 = arith.addf %add3A_83, %exp3A_89 : vector<16xf32>
        %add3A_91 = arith.constant 3 : i32
        %add3A_92 = vector.broadcast %add3A_91 : i32 to vector<16xi32>
        %add3A_93 = arith.addi %add3A_62, %add3A_92 : vector<16xi32>
        %gather3A_94 = tpu.vector_load_idx %arg5[%add3A_93] : memref<58368xf32, #tpu.memory_space<vmem>>[vector<16xi32>], vector<16xf32>,
        %sub3A_95 = arith.subf %gather3A_94, %gather3A : vector<16xf32>
        %exp3A_96 = math.exp %sub3A_95 : vector<16xf32>
        %add3A_97 = arith.addf %add3A_90, %exp3A_96 : vector<16xf32>
        %add3A_98 = arith.constant 4 : i32
        %add3A_99 = vector.broadcast %add3A_98 : i32 to vector<16xi32>
        %add3A_100 = arith.addi %add3A_62, %add3A_99 : vector<16xi32>
        %gather3A_101 = tpu.vector_load_idx %arg5[%add3A_100] : memref<58368xf32, #tpu.memory_space<vmem>>[vector<16xi32>], vector<16xf32>,
        %sub3A_102 = arith.subf %gather3A_101, %gather3A : vector<16xf32>
        %exp3A_103 = math.exp %sub3A_102 : vector<16xf32>
        %add3A_104 = arith.addf %add3A_97, %exp3A_103 : vector<16xf32>
        %add3A_105 = arith.constant 5 : i32
        %add3A_106 = vector.broadcast %add3A_105 : i32 to vector<16xi32>
        %add3A_107 = arith.addi %add3A_62, %add3A_106 : vector<16xi32>
        %gather3A_108 = tpu.vector_load_idx %arg5[%add3A_107] : memref<58368xf32, #tpu.memory_space<vmem>>[vector<16xi32>], vector<16xf32>,
        %sub3A_109 = arith.subf %gather3A_108, %gather3A : vector<16xf32>
        %exp3A_110 = math.exp %sub3A_109 : vector<16xf32>
        %add3A_111 = arith.addf %add3A_104, %exp3A_110 : vector<16xf32>
        %add3A_112 = arith.constant 6 : i32
        %add3A_113 = vector.broadcast %add3A_112 : i32 to vector<16xi32>
        %add3A_114 = arith.addi %add3A_62, %add3A_113 : vector<16xi32>
        %gather3A_115 = tpu.vector_load_idx %arg5[%add3A_114] : memref<58368xf32, #tpu.memory_space<vmem>>[vector<16xi32>], vector<16xf32>,
        %sub3A_116 = arith.subf %gather3A_115, %gather3A : vector<16xf32>
        %exp3A_117 = math.exp %sub3A_116 : vector<16xf32>
        %add3A_118 = arith.addf %add3A_111, %exp3A_117 : vector<16xf32>
        %add3A_119 = arith.constant 7 : i32
        %add3A_120 = vector.broadcast %add3A_119 : i32 to vector<16xi32>
        %add3A_121 = arith.addi %add3A_62, %add3A_120 : vector<16xi32>
        %gather3A_122 = tpu.vector_load_idx %arg5[%add3A_121] : memref<58368xf32, #tpu.memory_space<vmem>>[vector<16xi32>], vector<16xf32>,
        %sub3A_123 = arith.subf %gather3A_122, %gather3A : vector<16xf32>
        %exp3A_124 = math.exp %sub3A_123 : vector<16xf32>
        %add3A_125 = arith.addf %add3A_118, %exp3A_124 : vector<16xf32>
        %add3A_126 = arith.constant 8 : i32
        %add3A_127 = vector.broadcast %add3A_126 : i32 to vector<16xi32>
        %add3A_128 = arith.addi %add3A_62, %add3A_127 : vector<16xi32>
        %gather3A_129 = tpu.vector_load_idx %arg5[%add3A_128] : memref<58368xf32, #tpu.memory_space<vmem>>[vector<16xi32>], vector<16xf32>,
        %sub3A_130 = arith.subf %gather3A_129, %gather3A : vector<16xf32>
        %exp3A_131 = math.exp %sub3A_130 : vector<16xf32>
        %add3A_132 = arith.addf %add3A_125, %exp3A_131 : vector<16xf32>
        %add3A_133 = arith.constant 9 : i32
        %add3A_134 = vector.broadcast %add3A_133 : i32 to vector<16xi32>
        %add3A_135 = arith.addi %add3A_62, %add3A_134 : vector<16xi32>
        %gather3A_136 = tpu.vector_load_idx %arg5[%add3A_135] : memref<58368xf32, #tpu.memory_space<vmem>>[vector<16xi32>], vector<16xf32>,
        %sub3A_137 = arith.subf %gather3A_136, %gather3A : vector<16xf32>
        %exp3A_138 = math.exp %sub3A_137 : vector<16xf32>
        %add3A_139 = arith.addf %add3A_132, %exp3A_138 : vector<16xf32>
        %add3A_140 = arith.constant 10 : i32
        %add3A_141 = vector.broadcast %add3A_140 : i32 to vector<16xi32>
        %add3A_142 = arith.addi %add3A_62, %add3A_141 : vector<16xi32>
        %gather3A_143 = tpu.vector_load_idx %arg5[%add3A_142] : memref<58368xf32, #tpu.memory_space<vmem>>[vector<16xi32>], vector<16xf32>,
        %sub3A_144 = arith.subf %gather3A_143, %gather3A : vector<16xf32>
        %exp3A_145 = math.exp %sub3A_144 : vector<16xf32>
        %add3A_146 = arith.addf %add3A_139, %exp3A_145 : vector<16xf32>
        %add3A_147 = arith.constant 11 : i32
        %add3A_148 = vector.broadcast %add3A_147 : i32 to vector<16xi32>
        %add3A_149 = arith.addi %add3A_62, %add3A_148 : vector<16xi32>
        %gather3A_150 = tpu.vector_load_idx %arg5[%add3A_149] : memref<58368xf32, #tpu.memory_space<vmem>>[vector<16xi32>], vector<16xf32>,
        %sub3A_151 = arith.subf %gather3A_150, %gather3A : vector<16xf32>
        %exp3A_152 = math.exp %sub3A_151 : vector<16xf32>
        %add3A_153 = arith.addf %add3A_146, %exp3A_152 : vector<16xf32>
        %add3A_154 = arith.constant 12 : i32
        %add3A_155 = vector.broadcast %add3A_154 : i32 to vector<16xi32>
        %add3A_156 = arith.addi %add3A_62, %add3A_155 : vector<16xi32>
        %gather3A_157 = tpu.vector_load_idx %arg5[%add3A_156] : memref<58368xf32, #tpu.memory_space<vmem>>[vector<16xi32>], vector<16xf32>,
        %sub3A_158 = arith.subf %gather3A_157, %gather3A : vector<16xf32>
        %exp3A_159 = math.exp %sub3A_158 : vector<16xf32>
        %add3A_160 = arith.addf %add3A_153, %exp3A_159 : vector<16xf32>
        %add3A_161 = arith.constant 13 : i32
        %add3A_162 = vector.broadcast %add3A_161 : i32 to vector<16xi32>
        %add3A_163 = arith.addi %add3A_62, %add3A_162 : vector<16xi32>
        %gather3A_164 = tpu.vector_load_idx %arg5[%add3A_163] : memref<58368xf32, #tpu.memory_space<vmem>>[vector<16xi32>], vector<16xf32>,
        %sub3A_165 = arith.subf %gather3A_164, %gather3A : vector<16xf32>
        %exp3A_166 = math.exp %sub3A_165 : vector<16xf32>
        %add3A_167 = arith.addf %add3A_160, %exp3A_166 : vector<16xf32>
        %add3A_168 = arith.constant 14 : i32
        %add3A_169 = vector.broadcast %add3A_168 : i32 to vector<16xi32>
        %add3A_170 = arith.addi %add3A_62, %add3A_169 : vector<16xi32>
        %gather3A_171 = tpu.vector_load_idx %arg5[%add3A_170] : memref<58368xf32, #tpu.memory_space<vmem>>[vector<16xi32>], vector<16xf32>,
        %sub3A_172 = arith.subf %gather3A_171, %gather3A : vector<16xf32>
        %exp3A_173 = math.exp %sub3A_172 : vector<16xf32>
        %add3A_174 = arith.addf %add3A_167, %exp3A_173 : vector<16xf32>
        %add3A_175 = arith.constant 15 : i32
        %add3A_176 = vector.broadcast %add3A_175 : i32 to vector<16xi32>
        %add3A_177 = arith.addi %add3A_62, %add3A_176 : vector<16xi32>
        %gather3A_178 = tpu.vector_load_idx %arg5[%add3A_177] : memref<58368xf32, #tpu.memory_space<vmem>>[vector<16xi32>], vector<16xf32>,
        %sub3A_179 = arith.subf %gather3A_178, %gather3A : vector<16xf32>
        %exp3A_180 = math.exp %sub3A_179 : vector<16xf32>
        %add3A_181 = arith.addf %add3A_174, %exp3A_180 : vector<16xf32>
        %add3A_182 = arith.constant 16 : i32
        %add3A_183 = vector.broadcast %add3A_182 : i32 to vector<16xi32>
        %add3A_184 = arith.addi %add3A_62, %add3A_183 : vector<16xi32>
        %gather3A_185 = tpu.vector_load_idx %arg5[%add3A_184] : memref<58368xf32, #tpu.memory_space<vmem>>[vector<16xi32>], vector<16xf32>,
        %sub3A_186 = arith.subf %gather3A_185, %gather3A : vector<16xf32>
        %exp3A_187 = math.exp %sub3A_186 : vector<16xf32>
        %add3A_188 = arith.addf %add3A_181, %exp3A_187 : vector<16xf32>
        %add3A_189 = arith.constant 17 : i32
        %add3A_190 = vector.broadcast %add3A_189 : i32 to vector<16xi32>
        %add3A_191 = arith.addi %add3A_62, %add3A_190 : vector<16xi32>
        %gather3A_192 = tpu.vector_load_idx %arg5[%add3A_191] : memref<58368xf32, #tpu.memory_space<vmem>>[vector<16xi32>], vector<16xf32>,
        %sub3A_193 = arith.subf %gather3A_192, %gather3A : vector<16xf32>
        %exp3A_194 = math.exp %sub3A_193 : vector<16xf32>
        %add3A_195 = arith.addf %add3A_188, %exp3A_194 : vector<16xf32>
        %add3A_196 = arith.constant 18 : i32
        %add3A_197 = vector.broadcast %add3A_196 : i32 to vector<16xi32>
        %add3A_198 = arith.addi %add3A_62, %add3A_197 : vector<16xi32>
        %gather3A_199 = tpu.vector_load_idx %arg5[%add3A_198] : memref<58368xf32, #tpu.memory_space<vmem>>[vector<16xi32>], vector<16xf32>,
        %sub3A_200 = arith.subf %gather3A_199, %gather3A : vector<16xf32>
        %exp3A_201 = math.exp %sub3A_200 : vector<16xf32>
        %add3A_202 = arith.addf %add3A_195, %exp3A_201 : vector<16xf32>
        %add3A_203 = arith.constant 19 : i32
        %add3A_204 = vector.broadcast %add3A_203 : i32 to vector<16xi32>
        %add3A_205 = arith.addi %add3A_62, %add3A_204 : vector<16xi32>
        %gather3A_206 = tpu.vector_load_idx %arg5[%add3A_205] : memref<58368xf32, #tpu.memory_space<vmem>>[vector<16xi32>], vector<16xf32>,
        %sub3A_207 = arith.subf %gather3A_206, %gather3A : vector<16xf32>
        %exp3A_208 = math.exp %sub3A_207 : vector<16xf32>
        %add3A_209 = arith.addf %add3A_202, %exp3A_208 : vector<16xf32>
        %add3A_210 = arith.constant 20 : i32
        %add3A_211 = vector.broadcast %add3A_210 : i32 to vector<16xi32>
        %add3A_212 = arith.addi %add3A_62, %add3A_211 : vector<16xi32>
        %gather3A_213 = tpu.vector_load_idx %arg5[%add3A_212] : memref<58368xf32, #tpu.memory_space<vmem>>[vector<16xi32>], vector<16xf32>,
        %sub3A_214 = arith.subf %gather3A_213, %gather3A : vector<16xf32>
        %exp3A_215 = math.exp %sub3A_214 : vector<16xf32>
        %add3A_216 = arith.addf %add3A_209, %exp3A_215 : vector<16xf32>
        %add3A_217 = arith.constant 21 : i32
        %add3A_218 = vector.broadcast %add3A_217 : i32 to vector<16xi32>
        %add3A_219 = arith.addi %add3A_62, %add3A_218 : vector<16xi32>
        %gather3A_220 = tpu.vector_load_idx %arg5[%add3A_219] : memref<58368xf32, #tpu.memory_space<vmem>>[vector<16xi32>], vector<16xf32>,
        %sub3A_221 = arith.subf %gather3A_220, %gather3A : vector<16xf32>
        %exp3A_222 = math.exp %sub3A_221 : vector<16xf32>
        %add3A_223 = arith.addf %add3A_216, %exp3A_222 : vector<16xf32>
        %add3A_224 = arith.constant 22 : i32
        %add3A_225 = vector.broadcast %add3A_224 : i32 to vector<16xi32>
        %add3A_226 = arith.addi %add3A_62, %add3A_225 : vector<16xi32>
        %gather3A_227 = tpu.vector_load_idx %arg5[%add3A_226] : memref<58368xf32, #tpu.memory_space<vmem>>[vector<16xi32>], vector<16xf32>,
        %sub3A_228 = arith.subf %gather3A_227, %gather3A : vector<16xf32>
        %exp3A_229 = math.exp %sub3A_228 : vector<16xf32>
        %add3A_230 = arith.addf %add3A_223, %exp3A_229 : vector<16xf32>
        %add3A_231 = arith.constant 23 : i32
        %add3A_232 = vector.broadcast %add3A_231 : i32 to vector<16xi32>
        %add3A_233 = arith.addi %add3A_62, %add3A_232 : vector<16xi32>
        %gather3A_234 = tpu.vector_load_idx %arg5[%add3A_233] : memref<58368xf32, #tpu.memory_space<vmem>>[vector<16xi32>], vector<16xf32>,
        %sub3A_235 = arith.subf %gather3A_234, %gather3A : vector<16xf32>
        %exp3A_236 = math.exp %sub3A_235 : vector<16xf32>
        %add3A_237 = arith.addf %add3A_230, %exp3A_236 : vector<16xf32>
        %add3A_238 = arith.constant 24 : i32
        %add3A_239 = vector.broadcast %add3A_238 : i32 to vector<16xi32>
        %add3A_240 = arith.addi %add3A_62, %add3A_239 : vector<16xi32>
        %gather3A_241 = tpu.vector_load_idx %arg5[%add3A_240] : memref<58368xf32, #tpu.memory_space<vmem>>[vector<16xi32>], vector<16xf32>,
        %sub3A_242 = arith.subf %gather3A_241, %gather3A : vector<16xf32>
        %exp3A_243 = math.exp %sub3A_242 : vector<16xf32>
        %add3A_244 = arith.addf %add3A_237, %exp3A_243 : vector<16xf32>
        %add3A_245 = arith.constant 25 : i32
        %add3A_246 = vector.broadcast %add3A_245 : i32 to vector<16xi32>
        %add3A_247 = arith.addi %add3A_62, %add3A_246 : vector<16xi32>
        %gather3A_248 = tpu.vector_load_idx %arg5[%add3A_247] : memref<58368xf32, #tpu.memory_space<vmem>>[vector<16xi32>], vector<16xf32>,
        %sub3A_249 = arith.subf %gather3A_248, %gather3A : vector<16xf32>
        %exp3A_250 = math.exp %sub3A_249 : vector<16xf32>
        %add3A_251 = arith.addf %add3A_244, %exp3A_250 : vector<16xf32>
        %add3A_252 = arith.constant 26 : i32
        %add3A_253 = vector.broadcast %add3A_252 : i32 to vector<16xi32>
        %add3A_254 = arith.addi %add3A_62, %add3A_253 : vector<16xi32>
        %gather3A_255 = tpu.vector_load_idx %arg5[%add3A_254] : memref<58368xf32, #tpu.memory_space<vmem>>[vector<16xi32>], vector<16xf32>,
        %sub3A_256 = arith.subf %gather3A_255, %gather3A : vector<16xf32>
        %exp3A_257 = math.exp %sub3A_256 : vector<16xf32>
        %add3A_258 = arith.addf %add3A_251, %exp3A_257 : vector<16xf32>
        %add3A_259 = arith.constant 27 : i32
        %add3A_260 = vector.broadcast %add3A_259 : i32 to vector<16xi32>
        %add3A_261 = arith.addi %add3A_62, %add3A_260 : vector<16xi32>
        %gather3A_262 = tpu.vector_load_idx %arg5[%add3A_261] : memref<58368xf32, #tpu.memory_space<vmem>>[vector<16xi32>], vector<16xf32>,
        %sub3A_263 = arith.subf %gather3A_262, %gather3A : vector<16xf32>
        %exp3A_264 = math.exp %sub3A_263 : vector<16xf32>
        %add3A_265 = arith.addf %add3A_258, %exp3A_264 : vector<16xf32>
        %add3A_266 = arith.constant 28 : i32
        %add3A_267 = vector.broadcast %add3A_266 : i32 to vector<16xi32>
        %add3A_268 = arith.addi %add3A_62, %add3A_267 : vector<16xi32>
        %gather3A_269 = tpu.vector_load_idx %arg5[%add3A_268] : memref<58368xf32, #tpu.memory_space<vmem>>[vector<16xi32>], vector<16xf32>,
        %sub3A_270 = arith.subf %gather3A_269, %gather3A : vector<16xf32>
        %exp3A_271 = math.exp %sub3A_270 : vector<16xf32>
        %add3A_272 = arith.addf %add3A_265, %exp3A_271 : vector<16xf32>
        %add3A_273 = arith.constant 29 : i32
        %add3A_274 = vector.broadcast %add3A_273 : i32 to vector<16xi32>
        %add3A_275 = arith.addi %add3A_62, %add3A_274 : vector<16xi32>
        %gather3A_276 = tpu.vector_load_idx %arg5[%add3A_275] : memref<58368xf32, #tpu.memory_space<vmem>>[vector<16xi32>], vector<16xf32>,
        %sub3A_277 = arith.subf %gather3A_276, %gather3A : vector<16xf32>
        %exp3A_278 = math.exp %sub3A_277 : vector<16xf32>
        %add3A_279 = arith.addf %add3A_272, %exp3A_278 : vector<16xf32>
        %add3A_280 = arith.constant 30 : i32
        %add3A_281 = vector.broadcast %add3A_280 : i32 to vector<16xi32>
        %add3A_282 = arith.addi %add3A_62, %add3A_281 : vector<16xi32>
        %gather3A_283 = tpu.vector_load_idx %arg5[%add3A_282] : memref<58368xf32, #tpu.memory_space<vmem>>[vector<16xi32>], vector<16xf32>,
        %sub3A_284 = arith.subf %gather3A_283, %gather3A : vector<16xf32>
        %exp3A_285 = math.exp %sub3A_284 : vector<16xf32>
        %add3A_286 = arith.addf %add3A_279, %exp3A_285 : vector<16xf32>
        %add3A_287 = arith.constant 31 : i32
        %add3A_288 = vector.broadcast %add3A_287 : i32 to vector<16xi32>
        %add3A_289 = arith.addi %add3A_62, %add3A_288 : vector<16xi32>
        %gather3A_290 = tpu.vector_load_idx %arg5[%add3A_289] : memref<58368xf32, #tpu.memory_space<vmem>>[vector<16xi32>], vector<16xf32>,
        %sub3A_291 = arith.subf %gather3A_290, %gather3A : vector<16xf32>
        %exp3A_292 = math.exp %sub3A_291 : vector<16xf32>
        %add3A_293 = arith.addf %add3A_286, %exp3A_292 : vector<16xf32>
        %add3A_294 = arith.constant 32 : i32
        %add3A_295 = vector.broadcast %add3A_294 : i32 to vector<16xi32>
        %add3A_296 = arith.addi %add3A_62, %add3A_295 : vector<16xi32>
        %gather3A_297 = tpu.vector_load_idx %arg5[%add3A_296] : memref<58368xf32, #tpu.memory_space<vmem>>[vector<16xi32>], vector<16xf32>,
        %sub3A_298 = arith.subf %gather3A_297, %gather3A : vector<16xf32>
        %exp3A_299 = math.exp %sub3A_298 : vector<16xf32>
        %add3A_300 = arith.addf %add3A_293, %exp3A_299 : vector<16xf32>
        %add3A_301 = arith.constant 33 : i32
        %add3A_302 = vector.broadcast %add3A_301 : i32 to vector<16xi32>
        %add3A_303 = arith.addi %add3A_62, %add3A_302 : vector<16xi32>
        %gather3A_304 = tpu.vector_load_idx %arg5[%add3A_303] : memref<58368xf32, #tpu.memory_space<vmem>>[vector<16xi32>], vector<16xf32>,
        %sub3A_305 = arith.subf %gather3A_304, %gather3A : vector<16xf32>
        %exp3A_306 = math.exp %sub3A_305 : vector<16xf32>
        %add3A_307 = arith.addf %add3A_300, %exp3A_306 : vector<16xf32>
        %add3A_308 = arith.constant 34 : i32
        %add3A_309 = vector.broadcast %add3A_308 : i32 to vector<16xi32>
        %add3A_310 = arith.addi %add3A_62, %add3A_309 : vector<16xi32>
        %gather3A_311 = tpu.vector_load_idx %arg5[%add3A_310] : memref<58368xf32, #tpu.memory_space<vmem>>[vector<16xi32>], vector<16xf32>,
        %sub3A_312 = arith.subf %gather3A_311, %gather3A : vector<16xf32>
        %exp3A_313 = math.exp %sub3A_312 : vector<16xf32>
        %add3A_314 = arith.addf %add3A_307, %exp3A_313 : vector<16xf32>
        %add3A_315 = arith.constant 35 : i32
        %add3A_316 = vector.broadcast %add3A_315 : i32 to vector<16xi32>
        %add3A_317 = arith.addi %add3A_62, %add3A_316 : vector<16xi32>
        %gather3A_318 = tpu.vector_load_idx %arg5[%add3A_317] : memref<58368xf32, #tpu.memory_space<vmem>>[vector<16xi32>], vector<16xf32>,
        %sub3A_319 = arith.subf %gather3A_318, %gather3A : vector<16xf32>
        %exp3A_320 = math.exp %sub3A_319 : vector<16xf32>
        %add3A_321 = arith.addf %add3A_314, %exp3A_320 : vector<16xf32>
        %add3A_322 = arith.constant 36 : i32
        %add3A_323 = vector.broadcast %add3A_322 : i32 to vector<16xi32>
        %add3A_324 = arith.addi %add3A_62, %add3A_323 : vector<16xi32>
        %gather3A_325 = tpu.vector_load_idx %arg5[%add3A_324] : memref<58368xf32, #tpu.memory_space<vmem>>[vector<16xi32>], vector<16xf32>,
        %sub3A_326 = arith.subf %gather3A_325, %gather3A : vector<16xf32>
        %exp3A_327 = math.exp %sub3A_326 : vector<16xf32>
        %add3A_328 = arith.addf %add3A_321, %exp3A_327 : vector<16xf32>
        %add3A_329 = arith.constant 37 : i32
        %add3A_330 = vector.broadcast %add3A_329 : i32 to vector<16xi32>
        %add3A_331 = arith.addi %add3A_62, %add3A_330 : vector<16xi32>
        %gather3A_332 = tpu.vector_load_idx %arg5[%add3A_331] : memref<58368xf32, #tpu.memory_space<vmem>>[vector<16xi32>], vector<16xf32>,
        %sub3A_333 = arith.subf %gather3A_332, %gather3A : vector<16xf32>
        %exp3A_334 = math.exp %sub3A_333 : vector<16xf32>
        %add3A_335 = arith.addf %add3A_328, %exp3A_334 : vector<16xf32>
        %add3A_336 = arith.constant 38 : i32
        %add3A_337 = vector.broadcast %add3A_336 : i32 to vector<16xi32>
        %add3A_338 = arith.addi %add3A_62, %add3A_337 : vector<16xi32>
        %gather3A_339 = tpu.vector_load_idx %arg5[%add3A_338] : memref<58368xf32, #tpu.memory_space<vmem>>[vector<16xi32>], vector<16xf32>,
        %sub3A_340 = arith.subf %gather3A_339, %gather3A : vector<16xf32>
        %exp3A_341 = math.exp %sub3A_340 : vector<16xf32>
        %add3A_342 = arith.addf %add3A_335, %exp3A_341 : vector<16xf32>
        %add3A_343 = arith.constant 39 : i32
        %add3A_344 = vector.broadcast %add3A_343 : i32 to vector<16xi32>
        %add3A_345 = arith.addi %add3A_62, %add3A_344 : vector<16xi32>
        %gather3A_346 = tpu.vector_load_idx %arg5[%add3A_345] : memref<58368xf32, #tpu.memory_space<vmem>>[vector<16xi32>], vector<16xf32>,
        %sub3A_347 = arith.subf %gather3A_346, %gather3A : vector<16xf32>
        %exp3A_348 = math.exp %sub3A_347 : vector<16xf32>
        %add3A_349 = arith.addf %add3A_342, %exp3A_348 : vector<16xf32>
        %add3A_350 = arith.constant 40 : i32
        %add3A_351 = vector.broadcast %add3A_350 : i32 to vector<16xi32>
        %add3A_352 = arith.addi %add3A_62, %add3A_351 : vector<16xi32>
        %gather3A_353 = tpu.vector_load_idx %arg5[%add3A_352] : memref<58368xf32, #tpu.memory_space<vmem>>[vector<16xi32>], vector<16xf32>,
        %sub3A_354 = arith.subf %gather3A_353, %gather3A : vector<16xf32>
        %exp3A_355 = math.exp %sub3A_354 : vector<16xf32>
        %add3A_356 = arith.addf %add3A_349, %exp3A_355 : vector<16xf32>
        %add3A_357 = arith.constant 41 : i32
        %add3A_358 = vector.broadcast %add3A_357 : i32 to vector<16xi32>
        %add3A_359 = arith.addi %add3A_62, %add3A_358 : vector<16xi32>
        %gather3A_360 = tpu.vector_load_idx %arg5[%add3A_359] : memref<58368xf32, #tpu.memory_space<vmem>>[vector<16xi32>], vector<16xf32>,
        %sub3A_361 = arith.subf %gather3A_360, %gather3A : vector<16xf32>
        %exp3A_362 = math.exp %sub3A_361 : vector<16xf32>
        %add3A_363 = arith.addf %add3A_356, %exp3A_362 : vector<16xf32>
        %add3A_364 = arith.constant 42 : i32
        %add3A_365 = vector.broadcast %add3A_364 : i32 to vector<16xi32>
        %add3A_366 = arith.addi %add3A_62, %add3A_365 : vector<16xi32>
        %gather3A_367 = tpu.vector_load_idx %arg5[%add3A_366] : memref<58368xf32, #tpu.memory_space<vmem>>[vector<16xi32>], vector<16xf32>,
        %sub3A_368 = arith.subf %gather3A_367, %gather3A : vector<16xf32>
        %exp3A_369 = math.exp %sub3A_368 : vector<16xf32>
        %add3A_370 = arith.addf %add3A_363, %exp3A_369 : vector<16xf32>
        %add3A_371 = arith.constant 43 : i32
        %add3A_372 = vector.broadcast %add3A_371 : i32 to vector<16xi32>
        %add3A_373 = arith.addi %add3A_62, %add3A_372 : vector<16xi32>
        %gather3A_374 = tpu.vector_load_idx %arg5[%add3A_373] : memref<58368xf32, #tpu.memory_space<vmem>>[vector<16xi32>], vector<16xf32>,
        %sub3A_375 = arith.subf %gather3A_374, %gather3A : vector<16xf32>
        %exp3A_376 = math.exp %sub3A_375 : vector<16xf32>
        %add3A_377 = arith.addf %add3A_370, %exp3A_376 : vector<16xf32>
        %add3A_378 = arith.constant 44 : i32
        %add3A_379 = vector.broadcast %add3A_378 : i32 to vector<16xi32>
        %add3A_380 = arith.addi %add3A_62, %add3A_379 : vector<16xi32>
        %gather3A_381 = tpu.vector_load_idx %arg5[%add3A_380] : memref<58368xf32, #tpu.memory_space<vmem>>[vector<16xi32>], vector<16xf32>,
        %sub3A_382 = arith.subf %gather3A_381, %gather3A : vector<16xf32>
        %exp3A_383 = math.exp %sub3A_382 : vector<16xf32>
        %add3A_384 = arith.addf %add3A_377, %exp3A_383 : vector<16xf32>
        %add3A_385 = arith.constant 45 : i32
        %add3A_386 = vector.broadcast %add3A_385 : i32 to vector<16xi32>
        %add3A_387 = arith.addi %add3A_62, %add3A_386 : vector<16xi32>
        %gather3A_388 = tpu.vector_load_idx %arg5[%add3A_387] : memref<58368xf32, #tpu.memory_space<vmem>>[vector<16xi32>], vector<16xf32>,
        %sub3A_389 = arith.subf %gather3A_388, %gather3A : vector<16xf32>
        %exp3A_390 = math.exp %sub3A_389 : vector<16xf32>
        %add3A_391 = arith.addf %add3A_384, %exp3A_390 : vector<16xf32>
        %add3A_392 = arith.constant 46 : i32
        %add3A_393 = vector.broadcast %add3A_392 : i32 to vector<16xi32>
        %add3A_394 = arith.addi %add3A_62, %add3A_393 : vector<16xi32>
        %gather3A_395 = tpu.vector_load_idx %arg5[%add3A_394] : memref<58368xf32, #tpu.memory_space<vmem>>[vector<16xi32>], vector<16xf32>,
        %sub3A_396 = arith.subf %gather3A_395, %gather3A : vector<16xf32>
        %exp3A_397 = math.exp %sub3A_396 : vector<16xf32>
        %add3A_398 = arith.addf %add3A_391, %exp3A_397 : vector<16xf32>
        %add3A_399 = arith.constant 47 : i32
        %add3A_400 = vector.broadcast %add3A_399 : i32 to vector<16xi32>
        %add3A_401 = arith.addi %add3A_62, %add3A_400 : vector<16xi32>
        %gather3A_402 = tpu.vector_load_idx %arg5[%add3A_401] : memref<58368xf32, #tpu.memory_space<vmem>>[vector<16xi32>], vector<16xf32>,
        %sub3A_403 = arith.subf %gather3A_402, %gather3A : vector<16xf32>
        %exp3A_404 = math.exp %sub3A_403 : vector<16xf32>
        %add3A_405 = arith.addf %add3A_398, %exp3A_404 : vector<16xf32>
        %add3A_406 = arith.constant 48 : i32
        %add3A_407 = vector.broadcast %add3A_406 : i32 to vector<16xi32>
        %add3A_408 = arith.addi %add3A_62, %add3A_407 : vector<16xi32>
        %gather3A_409 = tpu.vector_load_idx %arg5[%add3A_408] : memref<58368xf32, #tpu.memory_space<vmem>>[vector<16xi32>], vector<16xf32>,
        %sub3A_410 = arith.subf %gather3A_409, %gather3A : vector<16xf32>
        %exp3A_411 = math.exp %sub3A_410 : vector<16xf32>
        %add3A_412 = arith.addf %add3A_405, %exp3A_411 : vector<16xf32>
        %add3A_413 = arith.constant 49 : i32
        %add3A_414 = vector.broadcast %add3A_413 : i32 to vector<16xi32>
        %add3A_415 = arith.addi %add3A_62, %add3A_414 : vector<16xi32>
        %gather3A_416 = tpu.vector_load_idx %arg5[%add3A_415] : memref<58368xf32, #tpu.memory_space<vmem>>[vector<16xi32>], vector<16xf32>,
        %sub3A_417 = arith.subf %gather3A_416, %gather3A : vector<16xf32>
        %exp3A_418 = math.exp %sub3A_417 : vector<16xf32>
        %add3A_419 = arith.addf %add3A_412, %exp3A_418 : vector<16xf32>
        %add3A_420 = arith.constant 50 : i32
        %add3A_421 = vector.broadcast %add3A_420 : i32 to vector<16xi32>
        %add3A_422 = arith.addi %add3A_62, %add3A_421 : vector<16xi32>
        %gather3A_423 = tpu.vector_load_idx %arg5[%add3A_422] : memref<58368xf32, #tpu.memory_space<vmem>>[vector<16xi32>], vector<16xf32>,
        %sub3A_424 = arith.subf %gather3A_423, %gather3A : vector<16xf32>
        %exp3A_425 = math.exp %sub3A_424 : vector<16xf32>
        %add3A_426 = arith.addf %add3A_419, %exp3A_425 : vector<16xf32>
        %add3A_427 = arith.constant 51 : i32
        %add3A_428 = vector.broadcast %add3A_427 : i32 to vector<16xi32>
        %add3A_429 = arith.addi %add3A_62, %add3A_428 : vector<16xi32>
        %gather3A_430 = tpu.vector_load_idx %arg5[%add3A_429] : memref<58368xf32, #tpu.memory_space<vmem>>[vector<16xi32>], vector<16xf32>,
        %sub3A_431 = arith.subf %gather3A_430, %gather3A : vector<16xf32>
        %exp3A_432 = math.exp %sub3A_431 : vector<16xf32>
        %add3A_433 = arith.addf %add3A_426, %exp3A_432 : vector<16xf32>
        %add3A_434 = arith.constant 52 : i32
        %add3A_435 = vector.broadcast %add3A_434 : i32 to vector<16xi32>
        %add3A_436 = arith.addi %add3A_62, %add3A_435 : vector<16xi32>
        %gather3A_437 = tpu.vector_load_idx %arg5[%add3A_436] : memref<58368xf32, #tpu.memory_space<vmem>>[vector<16xi32>], vector<16xf32>,
        %sub3A_438 = arith.subf %gather3A_437, %gather3A : vector<16xf32>
        %exp3A_439 = math.exp %sub3A_438 : vector<16xf32>
        %add3A_440 = arith.addf %add3A_433, %exp3A_439 : vector<16xf32>
        %add3A_441 = arith.constant 53 : i32
        %add3A_442 = vector.broadcast %add3A_441 : i32 to vector<16xi32>
        %add3A_443 = arith.addi %add3A_62, %add3A_442 : vector<16xi32>
        %gather3A_444 = tpu.vector_load_idx %arg5[%add3A_443] : memref<58368xf32, #tpu.memory_space<vmem>>[vector<16xi32>], vector<16xf32>,
        %sub3A_445 = arith.subf %gather3A_444, %gather3A : vector<16xf32>
        %exp3A_446 = math.exp %sub3A_445 : vector<16xf32>
        %add3A_447 = arith.addf %add3A_440, %exp3A_446 : vector<16xf32>
        %add3A_448 = arith.constant 54 : i32
        %add3A_449 = vector.broadcast %add3A_448 : i32 to vector<16xi32>
        %add3A_450 = arith.addi %add3A_62, %add3A_449 : vector<16xi32>
        %gather3A_451 = tpu.vector_load_idx %arg5[%add3A_450] : memref<58368xf32, #tpu.memory_space<vmem>>[vector<16xi32>], vector<16xf32>,
        %sub3A_452 = arith.subf %gather3A_451, %gather3A : vector<16xf32>
        %exp3A_453 = math.exp %sub3A_452 : vector<16xf32>
        %add3A_454 = arith.addf %add3A_447, %exp3A_453 : vector<16xf32>
        %add3A_455 = arith.constant 55 : i32
        %add3A_456 = vector.broadcast %add3A_455 : i32 to vector<16xi32>
        %add3A_457 = arith.addi %add3A_62, %add3A_456 : vector<16xi32>
        %gather3A_458 = tpu.vector_load_idx %arg5[%add3A_457] : memref<58368xf32, #tpu.memory_space<vmem>>[vector<16xi32>], vector<16xf32>,
        %sub3A_459 = arith.subf %gather3A_458, %gather3A : vector<16xf32>
        %exp3A_460 = math.exp %sub3A_459 : vector<16xf32>
        %add3A_461 = arith.addf %add3A_454, %exp3A_460 : vector<16xf32>
        %add3A_462 = arith.constant 56 : i32
        %add3A_463 = vector.broadcast %add3A_462 : i32 to vector<16xi32>
        %add3A_464 = arith.addi %add3A_62, %add3A_463 : vector<16xi32>
        %gather3A_465 = tpu.vector_load_idx %arg5[%add3A_464] : memref<58368xf32, #tpu.memory_space<vmem>>[vector<16xi32>], vector<16xf32>,
        %sub3A_466 = arith.subf %gather3A_465, %gather3A : vector<16xf32>
        %exp3A_467 = math.exp %sub3A_466 : vector<16xf32>
        %add3A_468 = arith.addf %add3A_461, %exp3A_467 : vector<16xf32>
        %div3A = arith.constant 1.000000e+00 : f32
        %div3A_469 = vector.broadcast %div3A : f32 to vector<16xf32>
        %div3A_470 = arith.divf %div3A_469, %add3A_468 : vector<16xf32>
        %bitcast3A = vector.bitcast %add3A_468 : vector<16xf32> to vector<16xi32>
        %shift_right_arithmetic3A = arith.constant 23 : i32
        %shift_right_arithmetic3A_471 = vector.broadcast %shift_right_arithmetic3A : i32 to vector<16xi32>
        %shift_right_arithmetic3A_472 = arith.shrsi %bitcast3A, %shift_right_arithmetic3A_471 : vector<16xi32>
        %sub3A_473 = arith.constant 127 : i32
        %sub3A_474 = vector.broadcast %sub3A_473 : i32 to vector<16xi32>
        %sub3A_475 = arith.subi %shift_right_arithmetic3A_472, %sub3A_474 : vector<16xi32>
        %and3A = arith.constant 8388607 : i32
        %and3A_476 = vector.broadcast %and3A : i32 to vector<16xi32>
        %and3A_477 = arith.andi %bitcast3A, %and3A_476 : vector<16xi32>
        %or3A = arith.constant 1065353216 : i32
        %or3A_478 = vector.broadcast %or3A : i32 to vector<16xi32>
        %or3A_479 = arith.ori %and3A_477, %or3A_478 : vector<16xi32>
        %bitcast3A_480 = vector.bitcast %or3A_479 : vector<16xi32> to vector<16xf32>
        %ge3A = arith.constant 1.41421354 : f32
        %ge3A_481 = vector.broadcast %ge3A : f32 to vector<16xf32>
        %ge3A_482 = arith.cmpf oge, %bitcast3A_480, %ge3A_481 : vector<16xf32>
        %mul3A_483 = arith.constant 5.000000e-01 : f32
        %mul3A_484 = vector.broadcast %mul3A_483 : f32 to vector<16xf32>
        %mul3A_485 = arith.mulf %bitcast3A_480, %mul3A_484 : vector<16xf32>
        %select_n3A = arith.select %ge3A_482, %mul3A_485, %bitcast3A_480 : vector<16xi1>, vector<16xf32>
        %jit3A = arith.constant 1 : i32
        %jit3A_486 = arith.constant 0 : i32
        %broadcast_in_dim3A_487 = vector.broadcast %jit3A : i32 to vector<16xi32>
        %broadcast_in_dim3A_488 = vector.broadcast %jit3A_486 : i32 to vector<16xi32>
        %select_n3A_489 = arith.select %ge3A_482, %broadcast_in_dim3A_487, %broadcast_in_dim3A_488 : vector<16xi1>, vector<16xi32>
        %add3A_490 = arith.addi %sub3A_475, %select_n3A_489 : vector<16xi32>
        %sub3A_491 = arith.constant 1.000000e+00 : f32
        %sub3A_492 = vector.broadcast %sub3A_491 : f32 to vector<16xf32>
        %sub3A_493 = arith.subf %select_n3A, %sub3A_492 : vector<16xf32>
        %add3A_494 = arith.constant 1.000000e+00 : f32
        %add3A_495 = vector.broadcast %add3A_494 : f32 to vector<16xf32>
        %add3A_496 = arith.addf %select_n3A, %add3A_495 : vector<16xf32>
        %div3A_497 = arith.divf %sub3A_493, %add3A_496 : vector<16xf32>
        %mul3A_498 = arith.mulf %div3A_497, %div3A_497 : vector<16xf32>
        %mul3A_499 = arith.constant 0.285714298 : f32
        %mul3A_500 = vector.broadcast %mul3A_499 : f32 to vector<16xf32>
        %mul3A_501 = arith.mulf %mul3A_498, %mul3A_500 : vector<16xf32>
        %add3A_502 = arith.constant 4.000000e-01 : f32
        %add3A_503 = vector.broadcast %add3A_502 : f32 to vector<16xf32>
        %add3A_504 = arith.addf %add3A_503, %mul3A_501 : vector<16xf32>
        %mul3A_505 = arith.mulf %mul3A_498, %add3A_504 : vector<16xf32>
        %add3A_506 = arith.constant 0.666666686 : f32
        %add3A_507 = vector.broadcast %add3A_506 : f32 to vector<16xf32>
        %add3A_508 = arith.addf %add3A_507, %mul3A_505 : vector<16xf32>
        %mul3A_509 = arith.mulf %mul3A_498, %add3A_508 : vector<16xf32>
        %add3A_510 = arith.constant 2.000000e+00 : f32
        %add3A_511 = vector.broadcast %add3A_510 : f32 to vector<16xf32>
        %add3A_512 = arith.addf %add3A_511, %mul3A_509 : vector<16xf32>
        %mul3A_513 = arith.mulf %div3A_497, %add3A_512 : vector<16xf32>
        %convert_element_type3A_514 = arith.sitofp %add3A_490 : vector<16xi32> to vector<16xf32>
        %mul3A_515 = arith.constant 0.693147182 : f32
        %mul3A_516 = vector.broadcast %mul3A_515 : f32 to vector<16xf32>
        %mul3A_517 = arith.mulf %convert_element_type3A_514, %mul3A_516 : vector<16xf32>
        %add3A_518 = arith.addf %mul3A_517, %mul3A_513 : vector<16xf32>
        %sub3A_519 = arith.constant 1.000000e+00 : f32
        %sub3A_520 = vector.broadcast %sub3A_519 : f32 to vector<16xf32>
        %sub3A_521 = arith.subf %sub3A_520, %div3A_470 : vector<16xf32>
        %mul3A_522 = arith.mulf %sub3A_521, %sub3A_521 : vector<16xf32>
        %mul3A_523 = arith.mulf %mul3A_522, %add3A_518 : vector<16xf32>
        %add3A_524 = arith.addf %scan3A_54, %mul3A_523 : vector<16xf32>
        scf.yield %add3A_524 : vector<16xf32>
      }
      %scan3A_52 = arith.constant 32 : i32
      scf.yield %scan3A_51 : vector<16xf32>
    }
    %scan3A_21 = arith.constant 32 : i32
    %swap3A = arith.constant 0 : index
    %swap3A_22 = tpu.vector_load %arg7[%swap3A] {strides = array<i32>} : memref<16xf32, #tpu.memory_space<vmem>>, vector<16xf32>,
    tpu.vector_store %arg7[%swap3A], %scan3A_20 {strides = array<i32>} : memref<16xf32, #tpu.memory_space<vmem>>, vector<16xf32>,
    "tpu.region"() ({
      %run_scoped3A = tpu.sem_alloc : memref<!tpu.dma_semaphore, #tpu.memory_space<semaphore_mem>>
      %dma_start3A_23 = arith.constant 0 : i32
      %dma_start3A_24 = tpu.memref_slice %arg4[%add3A, %dma_start3A_23] : memref<32x16xf32, #tpu.memory_space<hbm>> -> memref<1x16xf32, #tpu.memory_space<hbm>>
      %dma_start3A_25 = tpu.memref_squeeze %dma_start3A_24 : memref<1x16xf32, #tpu.memory_space<hbm>> -> memref<16xf32, #tpu.memory_space<hbm>>
      %dma_start3A_26 = arith.constant 0 : i32
      %dma_start3A_27 = tpu.memref_slice %arg4[%add3A, %dma_start3A_26] : memref<32x16xf32, #tpu.memory_space<hbm>> -> memref<1x16xf32, #tpu.memory_space<hbm>>
      %dma_start3A_28 = tpu.memref_squeeze %dma_start3A_27 : memref<1x16xf32, #tpu.memory_space<hbm>> -> memref<16xf32, #tpu.memory_space<hbm>>
      tpu.enqueue_dma source(%arg7 : memref<16xf32, #tpu.memory_space<vmem>>) target(%dma_start3A_28 : memref<16xf32, #tpu.memory_space<hbm>>) target_semaphore(%run_scoped3A : memref<!tpu.dma_semaphore, #tpu.memory_space<semaphore_mem>>)
      %dma_wait3A_29 = arith.constant 0 : i32
      %dma_wait3A_30 = tpu.memref_slice %arg4[%add3A, %dma_wait3A_29] : memref<32x16xf32, #tpu.memory_space<hbm>> -> memref<1x16xf32, #tpu.memory_space<hbm>>
      %dma_wait3A_31 = tpu.memref_squeeze %dma_wait3A_30 : memref<1x16xf32, #tpu.memory_space<hbm>> -> memref<16xf32, #tpu.memory_space<hbm>>
      %dma_wait3A_32 = arith.constant 0 : i32
      %dma_wait3A_33 = tpu.memref_slice %arg4[%add3A, %dma_wait3A_32] : memref<32x16xf32, #tpu.memory_space<hbm>> -> memref<1x16xf32, #tpu.memory_space<hbm>>
      %dma_wait3A_34 = tpu.memref_squeeze %dma_wait3A_33 : memref<1x16xf32, #tpu.memory_space<hbm>> -> memref<16xf32, #tpu.memory_space<hbm>>
      tpu.wait_dma2 semaphore(%run_scoped3A : memref<!tpu.dma_semaphore, #tpu.memory_space<semaphore_mem>>) src(%arg7 : memref<16xf32, #tpu.memory_space<vmem>>) dst(%dma_wait3A_34 : memref<16xf32, #tpu.memory_space<hbm>>)
      tpu.yield
    }) : () -> ()
    return
  }
}

</mosaic_0001>

<sc_bundles>
// kernel: kernel.3.cloned.1.call-start
scs
__scs_entry_jumppad:
0x0: {  	(pc) =	sbr.rel $0x88, $3  }
0x1: {  	(tag) =	ssettag $0x0;
	lr =	simm.s32 $0x1  }
0x2: {  	[smem:$0x3F9F] =	sst lr;
	_ =	strace $0xD0000000  }
0x3: {  	_ = 	snop  }
0x4: {  	_ = 	snop  }
0x5: {  	_ = 	snop  }
0x6: {  	_ = 	snop  }
0x7: {  	_ = 	snop  }
__scs_overlays_trampoline_lowered:
0x8: {  	[smem:$0x3FAE] =	sst s0  }
0x9: {  	[smem:$0x3FAF] =	sst s1  }
0xa: {  	[smem:$0x3FB0] =	sst s2  }
0xb: {  	[smem:$0x3FB1] =	sst s3  }
0xc: {  	[smem:$0x3FB2] =	sst s4  }
0xd: {  	[smem:$0x3FB3] =	sst s5  }
0xe: {  	[smem:$0x3FB4] =	sst s6  }
0xf: {  	[smem:$0x3FB5] =	sst s7  }
0x10: {  	[smem:$0x3FB6] =	sst s8  }
0x11: {  	[smem:$0x3FB7] =	sst s9;
	s0 =	simm.s32 @!p0 $0x0  }
0x12: {  	s1 =	sld [smem:$0x3F9D];
	s0 =	simm.s32 @p0 $0x1  }
0x13: {  	[smem:$0x3FB8] =	sst s0;
	s0 =	simm.s32 @!p1 $0x0  }
0x14: {  	s2 =	sld [smem:$0x3F9C];
	s0 =	simm.s32 @p1 $0x1  }
0x15: {  	[smem:$0x3FB9] =	sst s0;
	s0 =	simm.s32 @!p2 $0x0  }
0x16: {  	s3 =	sld [smem:$0x3FDB];
	s0 =	simm.s32 @p2 $0x1  }
0x17: {  	s4 =	simm.s32 $0x1BF5;
	[smem:$0x3FBB] =	sst s0  }
0x18: {  	s0 =	sld [smem:$0x3F9E];
	_ =	swait.ge [sflag:s4], $0x0  }
0x19: {  	s7 =	sld [smem:$0x3F9F]  }
0x1a: {  	s8 =	sadd.s32 $0xFFFFE003, lr  }
0x1b: {  	s9 =	sadd.s32 $0xFFFFFEF7, lr;
	s5 =	simm.s32 $0xFFFFFFFF;
	p2 =	slt.u32 s8, $0xFFFFF086  }
0x1c: {  	p1 =	slt.u32 s9, $0xF7A;
	s5 =	simm.s32 @!p2 $0x0  }
0x1d: {  	s5 =	simm.s32 @p1 $0x1;
	p0 =	seq.s32 s7, s2  }
0x1e: {  	s7 =	smul.u32 @!p0 $0xF7A, s2;
	p2 =	seq.s32 @!p0 s5, $0x0  }
0x1f: {  	s9 =	smul.u32 $0xF7A, s1;
	s8 =	simm.s32 @!p0 $0x1BF5;
	p2 =	por !p2, p0  }
0x20: {  	[sflag:s8] =	ssyncset.s32 @!p0 $0xFFFFF086;
	s6 =	sadd.s32 @!p0 s3, s7;
	s7 =	simm.s32 @!p0 $0x108  }
0x21: {  	s3 =	sadd.s32 s3, s9;
	s6 =	sadd.s32 @!p0 $0x88, s6;
	s7 =	simm.s32 @p2 $0x1082  }
0x22: {  	[simem:s7], [sflag:s8] =	dma.local @!p0 [hbm:s6], $0xF7A  }
0x23: {  	s9 =	sor.u32 $0xD0000000, s2;
	s6 =	simm.s32 $0x108;
	_ =	swait.ge @!p0 [sflag:s8], $0x0  }
0x24: {  	s3 =	sadd.s32 $0x88, s3;
	s6 =	simm.s32 @!p1 $0x1082;
	[sflag:s4] =	ssyncset.s32 $0xFFFFF086  }
0x25: {  	[simem:s6], [sflag:s4] =	dma.local [hbm:s3], $0xF7A  }
0x26: {  	[smem:$0x3F9F] =	sst s1;
	(tag) =	ssettag s2;
	_ =	strace s9  }
0x27: {  	s1 =	sld [smem:$0x3FAF]  }
0x28: {  	s2 =	sld [smem:$0x3FB0]  }
0x29: {  	s4 =	sld [smem:$0x3FB2]  }
0x2a: {  	p0 =	seq.s32 s5, $0x0;
	s5 =	sld [smem:$0x3FB3]  }
0x2b: {  	s6 =	sld [smem:$0x3FB4]  }
0x2c: {  	s7 =	sld [smem:$0x3FB5]  }
0x2d: {  	s3 =	simm.s32 $0x108;
	s8 =	sld [smem:$0x3FB6]  }
0x2e: {  	s3 =	simm.s32 @!p0 $0x1082;
	s9 =	sld [smem:$0x3FB7]  }
0x2f: {  	lr =	sadd.s32 s0, s3;
	s0 =	sld [smem:$0x3FAE]  }
0x30: {  	s3 =	sld [smem:$0x3FB1]  }
0x31: {  	[smem:$0x3FBA] =	sst s10  }
0x32: {  	s10 =	sld [smem:$0x3FB8];
	_ =	sdelay $0x3  }
0x33: {  	p0 =	seq.s32 s10, $0x1;
	s10 =	sld [smem:$0x3FBA];
	_ =	sdelay $0x3  }
0x34: {  	[smem:$0x3FBA] =	sst s10  }
0x35: {  	s10 =	sld [smem:$0x3FB9];
	_ =	sdelay $0x3  }
0x36: {  	p1 =	seq.s32 s10, $0x1;
	s10 =	sld [smem:$0x3FBA];
	_ =	sdelay $0x3  }
0x37: {  	[smem:$0x3FBA] =	sst s10  }
0x38: {  	s10 =	sld [smem:$0x3FBB]  }
0x39: {  	_ = 	snop;
	(pc) =	sbr.ind lr, $3  }
0x3a: {  	_ = 	snop  }
0x3b: {  	_ = 	snop  }
0x3c: {  	p2 =	seq.s32 s10, $0x1;
	s10 =	sld [smem:$0x3FBA]  }
0x3d: {  	_ =	shalt  }
0x3e: {  	_ =	shalt  }
0x3f: {  	_ =	shalt  }
0x40: {  	_ =	shalt  }
0x41: {  	_ =	shalt  }
0x42: {  	_ =	shalt  }
0x43: {  	_ =	shalt  }
0x44: {  	_ =	shalt  }
0x45: {  	_ =	shalt  }
0x46: {  	_ =	shalt  }
0x47: {  	_ =	shalt  }
0x48: {  	_ =	shalt  }
0x49: {  	_ =	shalt  }
0x4a: {  	_ =	shalt  }
0x4b: {  	_ =	shalt  }
0x4c: {  	_ =	shalt  }
0x4d: {  	_ =	shalt  }
0x4e: {  	_ =	shalt  }
0x4f: {  	_ =	shalt  }
0x50: {  	_ =	shalt  }
0x51: {  	_ =	shalt  }
0x52: {  	_ =	shalt  }
0x53: {  	_ =	shalt  }
0x54: {  	_ =	shalt  }
0x55: {  	_ =	shalt  }
0x56: {  	_ =	shalt  }
0x57: {  	_ =	shalt  }
0x58: {  	_ =	shalt  }
0x59: {  	_ =	shalt  }
0x5a: {  	_ =	shalt  }
0x5b: {  	_ =	shalt  }
0x5c: {  	_ =	shalt  }
0x5d: {  	_ =	shalt  }
0x5e: {  	_ =	shalt  }
0x5f: {  	_ =	shalt  }
0x60: {  	_ =	shalt  }
0x61: {  	_ =	shalt  }
0x62: {  	_ =	shalt  }
0x63: {  	_ =	shalt  }
0x64: {  	_ =	shalt  }
0x65: {  	_ =	shalt  }
0x66: {  	_ =	shalt  }
0x67: {  	_ =	shalt  }
0x68: {  	_ =	shalt  }
0x69: {  	_ =	shalt  }
0x6a: {  	_ =	shalt  }
0x6b: {  	_ =	shalt  }
0x6c: {  	_ =	shalt  }
0x6d: {  	_ =	shalt  }
0x6e: {  	_ =	shalt  }
0x6f: {  	_ =	shalt  }
0x70: {  	_ =	shalt  }
0x71: {  	_ =	shalt  }
0x72: {  	_ =	shalt  }
0x73: {  	_ =	shalt  }
0x74: {  	_ =	shalt  }
0x75: {  	_ =	shalt  }
0x76: {  	_ =	shalt  }
0x77: {  	_ =	shalt  }
0x78: {  	_ =	shalt  }
0x79: {  	_ =	shalt  }
0x7a: {  	_ =	shalt  }
0x7b: {  	_ =	shalt  }
0x7c: {  	_ =	shalt  }
0x7d: {  	_ =	shalt  }
0x7e: {  	_ =	shalt  }
0x7f: {  	_ =	shalt  }
0x80: {  	_ =	shalt  }
0x81: {  	_ =	shalt  }
0x82: {  	_ =	shalt  }
0x83: {  	_ =	shalt  }
0x84: {  	_ =	shalt  }
0x85: {  	_ =	shalt  }
0x86: {  	_ =	shalt  }
0x87: {  	_ =	shalt  }
.Lfunc_end0:
.L_simem_size_0:
called_computation_lowered:
.L_overlay_start_0:
0x88: {  	s2 =	sld [smem:$0x3FD9]  }
0x89: {  	s3 =	sld [smem:$0x3FFE];
	_ =	sdelay $0x1  }
0x8a: {  	s1 =	srdreg.scid  }
0x8b: {  	s0 =	sand.u32 $0x1, s1  }
0x8c: {  	s17 =	sshll.u32 s0, $0xA;
	s2 =	sadd.s32 s3, s2  }
0x8d: {  	s2 =	sadd.s32 s2, s17  }
0x8e: {  	[smem:$0x3FC6] =	sst s2  }
0x8f: {  	_ = 	snop  }
0x90: {  	s2 =	sld [smem:$0x3FC8];
	(tm) =	ssettm $0x1  }
0x91: {  	s18 =	sld [smem:$0x3FFB];
	_ =	sdelay $0x3  }
0x92: {  	_ =	strace s18  }
0x93: {  	s3 =	sld [smem:$0x3FFC];
	_ =	sdelay $0x3  }
0x94: {  	_ =	strace s3  }
0x95: {  	s3 =	sld [smem:$0x3FFD];
	_ =	sdelay $0x3  }
0x96: {  	_ =	strace s3  }
0x97: {  	_ =	strace $0x8FFFFFFF  }
0x98: {  	s19 =	sld [smem:$0x3FDB];
	_ =	sdelay $0x1  }
0x99: {  	s4 =	simm.s32 $_scs_section_size  }
0x9a: {  	s5 =	simm.s32 $_size__tile_overlayer_lowered;
	s6 =	simm.s32 $_tile_overlayer_lowered  }
0x9b: {  	s22 =	simm.s32 $0x1BFF;
	s21 =	sshll.u32 s6, $0x1;
	s3 =	sadd.s32 s4, s19  }
0x9c: {  	s7 =	simm.s32 $0x0;
	s20 =	sshll.u32 s5, $0x1;
	s5 =	sadd.s32 s21, s3  }
0x9d: {  	[timem:s7], [sflag:s22] =	dma.local [hbm:s5], s20  }
0x9e: {  	_ =	swait.ge [sflag:s22], s20  }
0x9f: {  	s4 =	ssub.s32 $0x0, s20;
	[sflag:s22] =	ssyncset.done $0x0  }
0xa0: {  	[sflag:s22] =	ssyncadd.s32 s4;
	_ =	sdelay $0x1  }
0xa1: {  	s23 =	simm.s32 $0x1B8B  }
0xa2: {  	_ =	swait.ge [sflag:s23], $0x1  }
0xa3: {  	[sflag:s23] =	ssyncset.done $0x0  }
0xa4: {  	s25 =	simm.s32 $0x1B8E;
	s24 =	sld [smem:$0x3FFE];
	[sflag:s23] =	ssyncadd.s32 $0xFFFFFFFF  }
0xa5: {  	s26 =	simm.s32 $execute0_lowered;
	[smem:$0x3FD2] =	sst s25  }
0xa6: {  	s5 =	sshll.u32 s26, $0x1;
	_ =	strace $0x80000046;
	[dreg:$0x1] =	wrdreg $0xFFFFFFFF  }
0xa7: {  	s28 =	simm.s32 $_size_execute0_lowered;
	s3 =	sadd.s32 s3, s5;
	[dreg:$0x0] =	wrdreg $0x0  }
0xa8: {  	s5 =	sshll.u32 s28, $0x1;
	[dreg:$0x2] =	wrdreg s3  }
0xa9: {  	[dreg:$0x3] =	wrdreg s5  }
0xaa: {  	[dreg:$0x4] =	wrdreg $0xC0  }
0xab: {  	_ =	task [dreg:s7], $0x5FFFF  }
0xac: {  	[dreg:$0x1] =	wrdreg $0xFFFFFFFF  }
0xad: {  	[dreg:$0x0] =	wrdreg $0x60  }
0xae: {  	[dreg:$0x2] =	wrdreg s24  }
0xaf: {  	[dreg:$0x3] =	wrdreg s2  }
0xb0: {  	[dreg:$0x4] =	wrdreg $0x9  }
0xb1: {  	_ =	task.clear_ibuf [dreg:s7], $0x5FFFF;
	_ =	strace $0x90000046  }
0xb2: {  	s29 =	simm.s32 $0x9;
	_ =	strace $0x80000048  }
0xb3: {  	_ =	swait.ge [sflag:s29], $0x1  }
0xb4: {  	[sflag:s29] =	ssyncadd.s32 $0xFFFFFFFF  }
0xb5: {  	_ =	strace $0x90000048  }
0xb6: {  	_ =	sfence  }
0xb7: {  	s30 =	sld [smem:$0x0];
	_ =	sdelay $0x2  }
0xb8: {  	s31 =	sshll.u32 s1, $0xD;
	s1 =	sshrl.u32 s1, $0x2  }
0xb9: {  	s3 =	sand.u32 $0x4000, s31;
	s1 =	sadd.s32 s1, s30  }
0xba: {  	s0 =	sor.u32 s3, s0;
	s1 =	sshll.u32 s1, $0x11  }
0xbb: {  	s0 =	sor.u32 s1, s0  }
0xbc: {  	s0 =	sadd.s32 $0x8F2B, s0  }
0xbd: {  	[sflag:s0] =	ssyncadd.remote.s32 $0x1  }
0xbe: {  	_ =	sfence.sel $0xFFFF  }
0xbf: {  	[dreg:$0x0] =	wrdreg $0xFFFFFFFF;
	(pc) =	sbr.abs _section_cstart, $3  }
0xc0: {  	[dreg:$0x1] =	wrdreg $0xFFFFFFFF  }
0xc1: {  	_ =	task.clear_ibuf [dreg:s7], $0x2FFFF;
	_ =	strace $0x9FFFFFFF  }
0xc2: {  	(tm) =	ssettm $0x7FFFFFFF  }
0xc3: {  	_ =	shalt  }
tec
execute0_lowered:
.L_overlay_start_1:
0x0: {  	(tag) =	ssettag $0x1  }
0x1: {  	v0 =	vlaneseq.u32;
	s7 =	rddreg [dreg:$0x0];
	s2 =	srdreg.scid  }
0x2: {  	s5 =	rddreg [dreg:$0x1];
	v20 =	vmul.u32 $0x39, v0;
	s3 =	sand.u32 $0x1, s2;
	s2 =	simm.s32 $0x0  }
0x3: {  	[smem:$0x7FF] =	sst s2  }
0x4: {  	s1 =	rddreg [dreg:$0x2];
	_ =	strace $0x80000047;
	v0 =	vadd.s32 $0x32, v20;
	[tilespmem:$0x1FF30] =	vst v20  }
0x5: {  	v57 =	vadd.s32 $0x34, v20;
	[tilespmem:$0x1FEB0] =	vst v0  }
0x6: {  	v59 =	vadd.s32 $0x35, v20;
	[tilespmem:$0x1FEC0] =	vst v57  }
0x7: {  	v21 =	vadd.s32 $0x1, v20;
	v19 =	vadd.s32 $0xB, v20;
	[tilespmem:$0x1FED0] =	vst v59  }
0x8: {  	v22 =	vadd.s32 $0x2, v20;
	v4 =	vadd.s32 $0x3, v20;
	v27 =	vadd.s32 $0x13, v20;
	[tilespmem:$0x1FF00] =	vst v19  }
0x9: {  	v7 =	vadd.s32 $0x4, v20;
	v5 =	vadd.s32 $0x5, v20;
	v61 =	vadd.s32 $0xA, v20;
	[tilespmem:$0x1FF10] =	vst v27  }
0xa: {  	v14 =	vadd.s32 $0x6, v20;
	v25 =	vadd.s32 $0x7, v20;
	v11 =	vadd.s32 $0x37, v20;
	[tilespmem:$0x1FF20] =	vst v61  }
0xb: {  	v24 =	vadd.s32 $0x8, v20;
	v30 =	vadd.s32 $0x9, v20;
	v31 =	vadd.s32 $0xC, v20;
	[tilespmem:$0x1FF40] =	vst v11  }
0xc: {  	v32 =	vadd.s32 $0xD, v20;
	v35 =	vadd.s32 $0xE, v20;
	v36 =	vadd.s32 $0xF, v20;
	[tilespmem:$0x1FF50] =	vst v5  }
0xd: {  	v37 =	vadd.s32 $0x10, v20;
	v38 =	vadd.s32 $0x11, v20;
	v39 =	vadd.s32 $0x12, v20;
	[tilespmem:$0x1FF60] =	vst v14  }
0xe: {  	v40 =	vadd.s32 $0x14, v20;
	v41 =	vadd.s32 $0x15, v20;
	v43 =	vadd.s32 $0x16, v20;
	[tilespmem:$0x1FF70] =	vst v4  }
0xf: {  	v44 =	vadd.s32 $0x17, v20;
	v45 =	vadd.s32 $0x18, v20;
	v15 =	vadd.s32 $0x33, v20;
	[tilespmem:$0x1FF80] =	vst v7  }
0x10: {  	v46 =	vadd.s32 $0x19, v20;
	v47 =	vadd.s32 $0x1A, v20;
	v17 =	vadd.s32 $0x2D, v20;
	[tilespmem:$0x1FF90] =	vst v15  }
0x11: {  	v48 =	vadd.s32 $0x1B, v20;
	v49 =	vadd.s32 $0x1C, v20;
	v18 =	vadd.s32 $0x31, v20;
	[tilespmem:$0x1FFA0] =	vst v17  }
0x12: {  	s0 =	stileid.u32;
	s11 =	simm.s32 $0x12400;
	v50 =	vadd.s32 $0x1D, v20;
	v51 =	vadd.s32 $0x1E, v20;
	v16 =	vadd.s32 $0x2C, v20;
	[tilespmem:$0x1FFB0] =	vst v18  }
0x13: {  	s12 =	simm.s32 $0x4;
	s13 =	simm.s32 $0x0;
	s4 =	sshll.u32 s0, $0x1;
	v52 =	vadd.s32 $0x1F, v20;
	v53 =	vadd.s32 $0x20, v20;
	v62 =	vadd.s32 $0x2F, v20;
	[tilespmem:$0x1FFC0] =	vst v16  }
0x14: {  	s6 =	ssub.s32 $0x2, s3;
	s8 =	sor.u32 s3, s4;
	s4 =	sadd.s32 $0x800000, s7;
	v54 =	vadd.s32 $0x21, v20;
	v55 =	vadd.s32 $0x22, v20;
	v23 =	vadd.s32 $0x2E, v20;
	[tilespmem:$0x1FFD0] =	vst v62  }
0x15: {  	v56 =	vadd.s32 $0x23, v20;
	v34 =	vadd.s32 $0x24, v20;
	s9 =	sshrl.u32 s6, $0x1;
	s3 =	smul.u32 $0xE4000, s8;
	s31 =	sshll.u32 s8, $0xB;
	v63 =	vadd.s32 $0x30, v20;
	[tilespmem:$0x1FFE0] =	vst v23  }
0x16: {  	v28 =	vadd.s32 $0x25, v20;
	v29 =	vadd.s32 $0x26, v20;
	s8 =	sshll.u32 s8, $0x4;
	s9 =	ssub.s32 s6, s9;
	s5 =	sadd.s32 s5, s31;
	v57 =	vadd.s32 $0x36, v20;
	[tilespmem:$0x1FFF0] =	vst v63  }
0x17: {  	v26 =	vadd.s32 $0x27, v20;
	v58 =	vadd.s32 $0x28, v20;
	s7 =	sadd.s32 s7, s8;
	v59 =	vadd.s32 $0x38, v20;
	s10 =	sshrl.u32 s3, $0x3;
	s8 =	smax.u32 s9, $0x1;
	[tilespmem:$0x1FEE0] =	vst v57  }
0x18: {  	v42 =	vadd.s32 $0x29, v20;
	v33 =	vadd.s32 $0x2A, v20;
	v60 =	vadd.s32 $0x2B, v20;
	s9 =	simm.s32 $0xE400;
	[tilespmem:$0x1FEF0] =	vst v59;
	s6 =	sadd.s32 s4, s10;
	s10 =	simm.s32 $0x3  }
.LBB2_1:
0x19: {  	[tilespmem:s9], [sflag:$0x3] =	stream.linear.gather [hbm4b:s5+s2], $0x4000, $0x38;
	[tilespmem:$0x12480] =	vst v63  }
0x1a: {  	_ = 	snop  }
0x1b: {  	[tilespmem:s2], [sflag:$0x1] =	stream.linear.gather [hbm4b:s6+s2], $0x7200, $0x38;
	[tilespmem:$0x12480] =	vst v63  }
0x1c: {  	_ =	swait.ge [sflag:s10], $0x4000  }
0x1d: {  	[sflag:s10] =	ssyncset.done $0x0  }
0x1e: {  	v0 =	vimm.f32 $0.0e+00;
	p0 =	por $0x0, $0x0;
	s14 =	simm.s32 $0x0;
	[sflag:s10] =	ssyncadd.s32 $0xFFFFC000  }
.LBB2_3:
0x1f: {  	s15 =	smov.u32 s14  }
0x20: {  	s14 =	sadd.s32 $0x1, s14;
	p1 =	seq.s32 s15, $0x1F  }
0x21: {  	s17 =	smul.u32 @!p1 $0x7200, s14  }
0x22: {  	s16 =	sand.u32 @!p1 $0x1, s14  }
0x23: {  	s26 =	sand.u32 $0x1, s15;
	s18 =	smul.u32 @!p1 $0x1C800, s16;
	s17 =	sadd.s32 @!p1 s3, s17  }
0x24: {  	s15 =	sshll.u32 s15, $0x9;
	s19 =	simm.s32 @!p1 $0x0;
	s17 =	sshrl.u32 @!p1 s17, $0x3  }
0x25: {  	s16 =	sadd.s32 @!p1 $0x1, s16;
	s18 =	sshrl.u32 @!p1 s18, $0x2;
	s17 =	sadd.s32 @!p1 s4, s17  }
0x26: {  	[tilespmem:s18], [sflag:s16] =	stream.linear.gather @!p1 [hbm4b:s17+s19], $0x7200, $0x38;
	[tilespmem:$0x12480] =	vst v63  }
0x27: {  	[tilespmem:$0x1FE80] =	vst v0;
	s28 =	simm.s32 $0x0;
	s15 =	sand.u32 $0x3FFFFE00, s15;
	s16 =	sadd.s32 $0x1, s26  }
0x28: {  	s29 =	sand.u32 $0x180, s28;
	s17 =	sadd.s32 $0xE400, s15;
	_ =	swait.ge [sflag:s16], $0x7200  }
0x29: {  	s18 =	sand.u32 $0x70, s28;
	s15 =	sadd.s32 s29, s17;
	[sflag:s16] =	ssyncset.done $0x0  }
0x2a: {  	s15 =	sadd.s32 s18, s15;
	[sflag:s16] =	ssyncadd.s32 $0xFFFF8E00  }
0x2b: {  	s16 =	simm.s32 $0x1;
	v0 =	vld [tilespmem:s15+$0x0]  }
0x2c: {  	s16 =	simm.s32 @!p0 $0x0  }
0x2d: {  	s16 =	smul.u32 $0x7200, s16;
	_ =	sdelay $0x1  }
0x2e: {  	v1 =	vadd.s32 s16, v20  }
0x2f: {  	v0 =	vadd.s32 v1, v0;
	_ =	sdelay $0x1  }
0x30: {  	v2 =	vadd.s32 s16, v21;
	_ =	sdelay $0x1  }
0x31: {  	v3 =	vadd.s32 s16, v22;
	v1 =	vld.idx.msk [tilespmem:v1+s2+$0x0], $0xffff  }
0x32: {  	v59 =	vld.idx.msk [tilespmem:v0+s2+$0x0], $0xffff  }
0x33: {  	v0 =	vadd.s32 s16, v4  }
0x34: {  	v2 =	vld.idx.msk [tilespmem:v2+s2+$0x0], $0xffff  }
0x35: {  	v4 =	vadd.s32 s16, v7  }
0x36: {  	v3 =	vld.idx.msk [tilespmem:v3+s2+$0x0], $0xffff  }
0x37: {  	v5 =	vadd.s32 s16, v5;
	v1 =	vsub.f32 v1, v59  }
0x38: {  	v0 =	vld.idx.msk [tilespmem:v0+s2+$0x0], $0xffff  }
0x39: {  	v2 =	vsub.f32 v2, v59;
	v1 =	vmul.f32 $1.442695020e+00, v1  }
0x3a: {  	v6 =	vadd.s32 s16, v14;
	v4 =	vld.idx.msk [tilespmem:v4+s2+$0x0], $0xffff  }
0x3b: {  	v3 =	vsub.f32 v3, v59;
	v2 =	vmul.f32 $1.442695020e+00, v2;
	(erf) = vpow2.f32 v1  }
0x3c: {  	v5 =	vld.idx.msk [tilespmem:v5+s2+$0x0], $0xffff;
	v7 =	vadd.s32 s16, v25  }
0x3d: {  	v3 =	vmul.f32 $1.442695020e+00, v3;
	v0 =	vsub.f32 v0, v59;
	(erf) = vpow2.f32 v2  }
0x3e: {  	v1 =	vadd.s32 s16, v24  }
0x3f: {  	v6 =	vld.idx.msk [tilespmem:v6+s2+$0x0], $0xffff;
	v4 =	vsub.f32 v4, v59;
	(erf) = vpow2.f32 v3;
	v0 =	vmul.f32 $1.442695020e+00, v0  }
0x40: {  	v2 =	vadd.s32 s16, v30  }
0x41: {  	v7 =	vld.idx.msk [tilespmem:v7+s2+$0x0], $0xffff;
	v5 =	vsub.f32 v5, v59;
	v4 =	vmul.f32 $1.442695020e+00, v4;
	(erf) = vpow2.f32 v0  }
0x42: {  	v3 =	vadd.s32 s16, v61  }
0x43: {  	v5 =	vmul.f32 $1.442695020e+00, v5;
	v0 =	vadd.s32 s16, v19;
	v1 =	vld.idx.msk [tilespmem:v1+s2+$0x0], $0xffff;
	(erf) = vpow2.f32 v4  }
0x44: {  	v6 =	vsub.f32 v6, v59;
	v8 =	vpop (erf)  }
0x45: {  	v2 =	vld.idx.msk [tilespmem:v2+s2+$0x0], $0xffff;
	v4 =	vadd.s32 s16, v31;
	(erf) = vpow2.f32 v5;
	v8 =	vadd.f32 $0.0e+00, v8  }
0x46: {  	v6 =	vmul.f32 $1.442695020e+00, v6;
	v7 =	vsub.f32 v7, v59;
	v5 =	vadd.s32 s16, v32;
	v9 =	vpop (erf)  }
0x47: {  	v3 =	vld.idx.msk [tilespmem:v3+s2+$0x0], $0xffff;
	v8 =	vadd.f32 v9, v8  }
0x48: {  	v7 =	vmul.f32 $1.442695020e+00, v7;
	(erf) = vpow2.f32 v6;
	v1 =	vsub.f32 v1, v59;
	v0 =	vld.idx.msk [tilespmem:v0+s2+$0x0], $0xffff;
	v9 =	vpop (erf)  }
0x49: {  	v6 =	vadd.s32 s16, v35;
	v8 =	vadd.f32 v9, v8  }
0x4a: {  	v2 =	vsub.f32 v2, v59;
	v4 =	vld.idx.msk [tilespmem:v4+s2+$0x0], $0xffff;
	v1 =	vmul.f32 $1.442695020e+00, v1;
	(erf) = vpow2.f32 v7;
	v9 =	vpop (erf)  }
0x4b: {  	v7 =	vadd.s32 s16, v36;
	v5 =	vld.idx.msk [tilespmem:v5+s2+$0x0], $0xffff;
	v8 =	vadd.f32 v9, v8  }
0x4c: {  	v3 =	vsub.f32 v3, v59;
	v2 =	vmul.f32 $1.442695020e+00, v2;
	(erf) = vpow2.f32 v1;
	v9 =	vpop (erf)  }
0x4d: {  	v1 =	vadd.s32 s16, v37;
	v0 =	vsub.f32 v0, v59;
	v8 =	vadd.f32 v9, v8  }
0x4e: {  	v3 =	vmul.f32 $1.442695020e+00, v3;
	(erf) = vpow2.f32 v2;
	v2 =	vld.idx.msk [tilespmem:v6+s2+$0x0], $0xffff;
	v6 =	vadd.s32 s16, v38;
	v9 =	vpop (erf)  }
0x4f: {  	v4 =	vsub.f32 v4, v59;
	v0 =	vmul.f32 $1.442695020e+00, v0;
	v8 =	vadd.f32 v9, v8  }
0x50: {  	v7 =	vld.idx.msk [tilespmem:v7+s2+$0x0], $0xffff;
	(erf) = vpow2.f32 v3;
	v3 =	vsub.f32 v5, v59  }
0x51: {  	v4 =	vmul.f32 $1.442695020e+00, v4;
	v5 =	vpop (erf);
	(erf) = vpow2.f32 v0;
	v0 =	vadd.s32 s16, v39  }
0x52: {  	v1 =	vld.idx.msk [tilespmem:v1+s2+$0x0], $0xffff;
	v5 =	vadd.f32 v5, v8  }
0x53: {  	v3 =	vmul.f32 $1.442695020e+00, v3;
	v8 =	vpop (erf);
	(erf) = vpow2.f32 v4;
	v4 =	vadd.s32 s16, v27  }
0x54: {  	v2 =	vsub.f32 v2, v59;
	v6 =	vld.idx.msk [tilespmem:v6+s2+$0x0], $0xffff;
	v5 =	vadd.f32 v8, v5  }
0x55: {  	v7 =	vsub.f32 v7, v59;
	v8 =	vpop (erf);
	(erf) = vpow2.f32 v3;
	v3 =	vadd.s32 s16, v40  }
0x56: {  	v2 =	vmul.f32 $1.442695020e+00, v2;
	v0 =	vld.idx.msk [tilespmem:v0+s2+$0x0], $0xffff;
	v5 =	vadd.f32 v8, v5  }
0x57: {  	v1 =	vsub.f32 v1, v59;
	v7 =	vmul.f32 $1.442695020e+00, v7;
	v8 =	vpop (erf)  }
0x58: {  	(erf) = vpow2.f32 v2;
	v2 =	vadd.s32 s16, v41;
	v5 =	vadd.f32 v8, v5;
	v4 =	vld.idx.msk [tilespmem:v4+s2+$0x0], $0xffff  }
0x59: {  	v6 =	vsub.f32 v6, v59;
	v8 =	vpop (erf);
	(erf) = vpow2.f32 v7;
	v7 =	vadd.s32 s16, v43  }
0x5a: {  	v1 =	vmul.f32 $1.442695020e+00, v1;
	v3 =	vld.idx.msk [tilespmem:v3+s2+$0x0], $0xffff;
	v5 =	vadd.f32 v8, v5  }
0x5b: {  	v6 =	vmul.f32 $1.442695020e+00, v6;
	v0 =	vsub.f32 v0, v59;
	v8 =	vpop (erf)  }
0x5c: {  	(erf) = vpow2.f32 v1;
	v1 =	vadd.s32 s16, v44;
	v5 =	vadd.f32 v8, v5  }
0x5d: {  	v0 =	vmul.f32 $1.442695020e+00, v0;
	v2 =	vld.idx.msk [tilespmem:v2+s2+$0x0], $0xffff;
	v8 =	vpop (erf);
	v4 =	vsub.f32 v4, v59  }
0x5e: {  	(erf) = vpow2.f32 v6;
	v7 =	vld.idx.msk [tilespmem:v7+s2+$0x0], $0xffff;
	v5 =	vadd.f32 v8, v5  }
0x5f: {  	v6 =	vadd.s32 s16, v45;
	v8 =	vpop (erf);
	v3 =	vsub.f32 v3, v59;
	v4 =	vmul.f32 $1.442695020e+00, v4  }
0x60: {  	(erf) = vpow2.f32 v0;
	v5 =	vadd.f32 v8, v5  }
0x61: {  	v9 =	vadd.s32 s16, v46;
	v0 =	vpop (erf);
	v1 =	vld.idx.msk [tilespmem:v1+s2+$0x0], $0xffff;
	v3 =	vmul.f32 $1.442695020e+00, v3  }
0x62: {  	v8 =	vadd.s32 s16, v47;
	(erf) = vpow2.f32 v4;
	v0 =	vadd.f32 v0, v5  }
0x63: {  	v2 =	vsub.f32 v2, v59;
	v4 =	vpop (erf);
	(erf) = vpow2.f32 v3;
	v3 =	vsub.f32 v7, v59  }
0x64: {  	v6 =	vld.idx.msk [tilespmem:v6+s2+$0x0], $0xffff;
	v5 =	vadd.s32 s16, v48;
	v0 =	vadd.f32 v4, v0  }
0x65: {  	v2 =	vmul.f32 $1.442695020e+00, v2;
	v7 =	vpop (erf)  }
0x66: {  	v4 =	vld.idx.msk [tilespmem:v9+s2+$0x0], $0xffff;
	v9 =	vadd.s32 s16, v49;
	v1 =	vsub.f32 v1, v59;
	v0 =	vadd.f32 v7, v0  }
0x67: {  	(erf) = vpow2.f32 v2;
	v2 =	vmul.f32 $1.442695020e+00, v3;
	v8 =	vld.idx.msk [tilespmem:v8+s2+$0x0], $0xffff;
	v3 =	vpop (erf)  }
0x68: {  	v7 =	vadd.s32 s16, v50;
	v1 =	vmul.f32 $1.442695020e+00, v1;
	v0 =	vadd.f32 v3, v0  }
0x69: {  	(erf) = vpow2.f32 v2;
	v2 =	vadd.s32 s16, v51;
	v3 =	vld.idx.msk [tilespmem:v5+s2+$0x0], $0xffff;
	v5 =	vsub.f32 v6, v59;
	v6 =	vpop (erf)  }
0x6a: {  	v0 =	vadd.f32 v6, v0  }
0x6b: {  	(erf) = vpow2.f32 v1;
	v1 =	vadd.s32 s16, v52;
	v4 =	vsub.f32 v4, v59;
	v9 =	vld.idx.msk [tilespmem:v9+s2+$0x0], $0xffff;
	v6 =	vpop (erf)  }
0x6c: {  	v5 =	vmul.f32 $1.442695020e+00, v5;
	v8 =	vsub.f32 v8, v59;
	v0 =	vadd.f32 v6, v0  }
0x6d: {  	v4 =	vmul.f32 $1.442695020e+00, v4;
	v6 =	vld.idx.msk [tilespmem:v7+s2+$0x0], $0xffff;
	v7 =	vpop (erf)  }
0x6e: {  	(erf) = vpow2.f32 v5;
	v2 =	vld.idx.msk [tilespmem:v2+s2+$0x0], $0xffff;
	v0 =	vadd.f32 v7, v0;
	v7 =	vmul.f32 $1.442695020e+00, v8  }
0x6f: {  	(erf) = vpow2.f32 v4  }
0x70: {  	v3 =	vsub.f32 v3, v59;
	v1 =	vld.idx.msk [tilespmem:v1+s2+$0x0], $0xffff;
	v8 =	vsub.f32 v9, v59;
	v9 =	vpop (erf);
	(erf) = vpow2.f32 v7  }
0x71: {  	v5 =	vadd.s32 s16, v53;
	v4 =	vadd.s32 s16, v54  }
0x72: {  	v3 =	vmul.f32 $1.442695020e+00, v3;
	v0 =	vadd.f32 v9, v0;
	v6 =	vsub.f32 v6, v59  }
0x73: {  	v7 =	vadd.s32 s16, v55;
	v8 =	vmul.f32 $1.442695020e+00, v8;
	v9 =	vpop (erf);
	v2 =	vsub.f32 v2, v59  }
0x74: {  	(erf) = vpow2.f32 v3;
	v0 =	vadd.f32 v9, v0;
	v6 =	vmul.f32 $1.442695020e+00, v6  }
0x75: {  	v3 =	vadd.s32 s16, v56;
	v9 =	vpop (erf);
	v1 =	vsub.f32 v1, v59;
	v2 =	vmul.f32 $1.442695020e+00, v2  }
0x76: {  	v5 =	vld.idx.msk [tilespmem:v5+s2+$0x0], $0xffff;
	(erf) = vpow2.f32 v8;
	v0 =	vadd.f32 v9, v0  }
0x77: {  	v4 =	vld.idx.msk [tilespmem:v4+s2+$0x0], $0xffff;
	v1 =	vmul.f32 $1.442695020e+00, v1;
	v9 =	vpop (erf);
	(erf) = vpow2.f32 v6  }
0x78: {  	v7 =	vld.idx.msk [tilespmem:v7+s2+$0x0], $0xffff;
	v0 =	vadd.f32 v9, v0;
	v6 =	vpop (erf);
	(erf) = vpow2.f32 v2  }
0x79: {  	v8 =	vadd.s32 s16, v34;
	v2 =	vpop (erf);
	(erf) = vpow2.f32 v1;
	v1 =	vld [tilespmem:$0x1FEF0]  }
0x7a: {  	v9 =	vld.idx.msk [tilespmem:v3+s2+$0x0], $0xffff;
	v0 =	vadd.f32 v6, v0;
	v6 =	vadd.s32 s16, v28  }
0x7b: {  	v5 =	vsub.f32 v5, v59  }
0x7c: {  	v10 =	vadd.s32 s16, v29  }
0x7d: {  	v4 =	vsub.f32 v4, v59;
	v0 =	vadd.f32 v2, v0;
	v2 =	vmul.f32 $1.442695020e+00, v5  }
0x7e: {  	v8 =	vld.idx.msk [tilespmem:v8+s2+$0x0], $0xffff;
	v5 =	vadd.s32 s16, v26;
	v7 =	vsub.f32 v7, v59;
	v3 =	vadd.s32 s16, v1;
	v1 =	vpop (erf)  }
0x7f: {  	v9 =	vsub.f32 v9, v59;
	v6 =	vld.idx.msk [tilespmem:v6+s2+$0x0], $0xffff;
	(erf) = vpow2.f32 v2;
	v0 =	vadd.f32 v1, v0  }
0x80: {  	v7 =	vmul.f32 $1.442695020e+00, v7;
	v2 =	vadd.s32 s16, v11;
	v1 =	vmul.f32 $1.442695020e+00, v4;
	v11 =	vpop (erf)  }
0x81: {  	v4 =	vadd.s32 s16, v58;
	v0 =	vadd.f32 v11, v0  }
0x82: {  	v10 =	vld.idx.msk [tilespmem:v10+s2+$0x0], $0xffff;
	v9 =	vmul.f32 $1.442695020e+00, v9;
	v12 =	vpop (erf);
	(erf) = vpow2.f32 v1  }
0x83: {  	v13 =	vld.idx.msk [tilespmem:v5+s2+$0x0], $0xffff;
	v11 =	vadd.s32 s16, v42;
	(erf) = vpow2.f32 v7;
	v12 =	vadd.f32 v12, v0  }
0x84: {  	v8 =	vsub.f32 v8, v59;
	v7 =	vpop (erf);
	(erf) = vpow2.f32 v9;
	v9 =	vsub.f32 v6, v59  }
0x85: {  	v7 =	vadd.f32 v7, v12  }
0x86: {  	v8 =	vmul.f32 $1.442695020e+00, v8;
	v6 =	vadd.s32 s16, v15;
	v15 =	vpop (erf);
	v4 =	vld.idx.msk [tilespmem:v4+s2+$0x0], $0xffff  }
0x87: {  	v14 =	vadd.s32 s16, v33;
	v10 =	vsub.f32 v10, v59;
	v15 =	vadd.f32 v15, v7  }
0x88: {  	(erf) = vpow2.f32 v8;
	v13 =	vsub.f32 v13, v59;
	v8 =	vld.idx.msk [tilespmem:v11+s2+$0x0], $0xffff;
	v11 =	vmul.f32 $1.442695020e+00, v9;
	v9 =	vpop (erf)  }
0x89: {  	v15 =	vadd.f32 v9, v15  }
0x8a: {  	v13 =	vmul.f32 $1.442695020e+00, v13;
	(erf) = vpow2.f32 v11;
	v11 =	vadd.s32 s16, v23  }
0x8b: {  	v9 =	vadd.s32 s16, v18;
	v18 =	vmul.f32 $1.442695020e+00, v10;
	v4 =	vsub.f32 v4, v59;
	v10 =	vpop (erf)  }
0x8c: {  	v17 =	vadd.s32 s16, v17;
	v14 =	vld.idx.msk [tilespmem:v14+s2+$0x0], $0xffff;
	[tilespmem:$0x1FEA0] =	vst v11;
	v11 =	vadd.f32 v10, v15  }
0x8d: {  	v5 =	vld [tilespmem:$0x1FEC0];
	v4 =	vmul.f32 $1.442695020e+00, v4;
	v15 =	vpop (erf)  }
0x8e: {  	v1 =	vld [tilespmem:$0x1FEE0];
	(erf) = vpow2.f32 v18;
	v15 =	vadd.f32 v15, v11  }
0x8f: {  	v0 =	vld [tilespmem:$0x1FED0];
	(erf) = vpow2.f32 v13;
	v13 =	vpop (erf)  }
0x90: {  	v12 =	vadd.s32 s16, v60;
	v7 =	vld [tilespmem:$0x1FEB0];
	v15 =	vadd.f32 v13, v15  }
0x91: {  	(erf) = vpow2.f32 v4;
	v4 =	vpop (erf);
	v13 =	vld.idx.msk [tilespmem:v17+s2+$0x0], $0xffff  }
0x92: {  	v57 =	vadd.s32 s16, v16;
	v17 =	vadd.f32 v4, v15;
	v4 =	vld [tilespmem:$0x1FEA0];
	_ =	sdelay $0x2  }
0x93: {  	s30 =	simm.s32 $0x10;
	s15 =	sadd.s32 $0x390, s16;
	v5 =	vadd.s32 s16, v5;
	v1 =	vadd.s32 s16, v1;
	v0 =	vadd.s32 s16, v0;
	v16 =	vld.idx.msk [tilespmem:v12+s2+$0x0], $0xffff  }
0x94: {  	s31 =	sand.u32 $0x180, s30;
	v12 =	vadd.s32 s15, v56;
	v10 =	vadd.s32 s16, v63;
	v8 =	vsub.f32 v8, v59  }
0x95: {  	s18 =	sand.u32 $0x70, s30;
	[tilespmem:$0x1FE90] =	vst v12;
	v12 =	vld.idx.msk [tilespmem:v57+s2+$0x0], $0xffff;
	v18 =	vsub.f32 v14, v59;
	v7 =	vadd.s32 s16, v7;
	v11 =	vadd.s32 s16, v62;
	s16 =	sadd.s32 s31, s17  }
0x96: {  	v23 =	vadd.s32 s15, v55;
	v8 =	vmul.f32 $1.442695020e+00, v8;
	s16 =	sadd.s32 s18, s16  }
0x97: {  	v57 =	vadd.s32 s15, v40;
	v63 =	vadd.s32 s15, v53;
	v18 =	vmul.f32 $1.442695020e+00, v18;
	v14 =	vld [tilespmem:s16+$0x0]  }
0x98: {  	v62 =	vadd.s32 s15, v54;
	v16 =	vsub.f32 v16, v59;
	(erf) = vpow2.f32 v8;
	s18 =	simm.s32 $0x20;
	s16 =	smov.u32 s15;
	v15 =	vld.idx.msk [tilespmem:v4+s2+$0x0], $0xffff  }
.LBB2_4:
0x99: {  	_ = 	snop  }
0x9a: {  	v12 =	vsub.f32 v12, v59  }
0x9b: {  	v16 =	vmul.f32 $1.442695020e+00, v16  }
0x9c: {  	v11 =	vld.idx.msk [tilespmem:v11+s2+$0x0], $0xffff;
	v13 =	vsub.f32 v13, v59;
	v12 =	vmul.f32 $1.442695020e+00, v12;
	v8 =	vadd.s32 s15, v19  }
0x9d: {  	v10 =	vld.idx.msk [tilespmem:v10+s2+$0x0], $0xffff;
	v4 =	vadd.s32 s15, v27;
	v19 =	vpop (erf);
	(erf) = vpow2.f32 v18;
	v18 =	vadd.s32 s15, v20  }
0x9e: {  	v2 =	vld.idx.msk [tilespmem:v2+s2+$0x0], $0xffff;
	v15 =	vsub.f32 v15, v59;
	v13 =	vmul.f32 $1.442695020e+00, v13;
	v27 =	vmovc v26;
	v26 =	vmovc v29;
	v29 =	vmov v28  }
0x9f: {  	v9 =	vld.idx.msk [tilespmem:v9+s2+$0x0], $0xffff;
	v28 =	vmovc v34;
	v34 =	vmovc v56;
	v56 =	vmov v54;
	v54 =	vmov v52;
	v52 =	vmov v50  }
0xa0: {  	v1 =	vld.idx.msk [tilespmem:v1+s2+$0x0], $0xffff;
	v50 =	vmovc v48;
	v48 =	vmovc v46;
	v46 =	vmov v44;
	v44 =	vmov v41;
	v41 =	vmov v39  }
0xa1: {  	v7 =	vld.idx.msk [tilespmem:v7+s2+$0x0], $0xffff;
	v39 =	vmovc v37;
	v37 =	vmovc v35;
	v35 =	vmov v31;
	v31 =	vmov v24;
	v17 =	vadd.f32 v19, v17  }
0xa2: {  	v19 =	vld.idx.msk [tilespmem:v3+s2+$0x0], $0xffff;
	v3 =	vadd.s32 s15, v61;
	v20 =	vpop (erf);
	(erf) = vpow2.f32 v16;
	v14 =	vadd.s32 v18, v14  }
0xa3: {  	v16 =	vadd.s32 s15, v30;
	v11 =	vsub.f32 v11, v59;
	v10 =	vsub.f32 v10, v59;
	v61 =	vmovc v53;
	v53 =	vmovc v51  }
0xa4: {  	v5 =	vld.idx.msk [tilespmem:v5+s2+$0x0], $0xffff;
	v51 =	vmovc v49;
	v49 =	vmovc v47;
	v47 =	vmov v45;
	v45 =	vmov v43;
	v17 =	vadd.f32 v20, v17  }
0xa5: {  	v6 =	vld.idx.msk [tilespmem:v6+s2+$0x0], $0xffff;
	v43 =	vmov v40;
	v20 =	vpop (erf);
	(erf) = vpow2.f32 v12;
	v12 =	vadd.s32 s15, v21  }
0xa6: {  	v0 =	vld.idx.msk [tilespmem:v0+s2+$0x0], $0xffff;
	v40 =	vmovc v38;
	v38 =	vmovc v36;
	v15 =	vmul.f32 $1.442695020e+00, v15;
	v17 =	vadd.f32 v20, v17;
	v20 =	vadd.s32 s15, v24  }
0xa7: {  	v24 =	vmov v21;
	v21 =	vpop (erf);
	(erf) = vpow2.f32 v13;
	v13 =	vadd.s32 s15, v22;
	v18 =	vld.idx.msk [tilespmem:v18+s2+$0x0], $0xffff  }
0xa8: {  	v36 =	vmovc v32;
	v32 =	vmovc v30;
	v30 =	vmov v25;
	v11 =	vmul.f32 $1.442695020e+00, v11;
	v14 =	vld.idx.msk [tilespmem:v14+s2+$0x0], $0xffff;
	v17 =	vadd.f32 v21, v17  }
0xa9: {  	v21 =	vadd.s32 s15, v25;
	v25 =	vmov v22;
	v22 =	vpop (erf);
	(erf) = vpow2.f32 v15;
	v15 =	vld [tilespmem:$0x1FF70]  }
0xaa: {  	v10 =	vmul.f32 $1.442695020e+00, v10;
	v17 =	vadd.f32 v22, v17;
	v22 =	vpop (erf);
	(erf) = vpow2.f32 v11;
	v11 =	vld.idx.msk [tilespmem:v12+s2+$0x0], $0xffff  }
0xab: {  	v12 =	vld [tilespmem:$0x1FF80]  }
0xac: {  	v9 =	vsub.f32 v9, v59;
	v17 =	vadd.f32 v22, v17;
	v22 =	vpop (erf);
	(erf) = vpow2.f32 v10;
	v10 =	vld.idx.msk [tilespmem:v13+s2+$0x0], $0xffff  }
0xad: {  	v7 =	vsub.f32 v7, v59;
	v2 =	vsub.f32 v2, v59;
	v13 =	vld [tilespmem:$0x1FF50]  }
0xae: {  	v6 =	vsub.f32 v6, v59;
	v1 =	vsub.f32 v1, v59;
	v9 =	vmul.f32 $1.442695020e+00, v9  }
0xaf: {  	v5 =	vsub.f32 v5, v59;
	v15 =	vadd.s32 s15, v15;
	v17 =	vadd.f32 v22, v17  }
0xb0: {  	v22 =	vpop (erf);
	(erf) = vpow2.f32 v9;
	v9 =	vsub.f32 v18, v14;
	v18 =	vld [tilespmem:$0x1FF60];
	v12 =	vadd.s32 s15, v12  }
0xb1: {  	v0 =	vsub.f32 v0, v59;
	v7 =	vmul.f32 $1.442695020e+00, v7;
	v6 =	vmul.f32 $1.442695020e+00, v6  }
0xb2: {  	v5 =	vmul.f32 $1.442695020e+00, v5;
	v3 =	vld.idx.msk [tilespmem:v3+s2+$0x0], $0xffff;
	v17 =	vadd.f32 v22, v17;
	v13 =	vadd.s32 s15, v13  }
0xb3: {  	v0 =	vmul.f32 $1.442695020e+00, v0;
	v1 =	vmul.f32 $1.442695020e+00, v1;
	v22 =	vpop (erf)  }
0xb4: {  	v2 =	vmul.f32 $1.442695020e+00, v2;
	(erf) = vpow2.f32 v7;
	v15 =	vld.idx.msk [tilespmem:v15+s2+$0x0], $0xffff;
	v17 =	vadd.f32 v22, v17  }
0xb5: {  	v19 =	vsub.f32 v19, v59;
	v7 =	vsub.f32 v11, v14;
	v18 =	vadd.s32 s15, v18;
	v11 =	vld.idx.msk [tilespmem:v12+s2+$0x0], $0xffff;
	v12 =	vpop (erf)  }
0xb6: {  	v59 =	vmovc v14;
	v9 =	vmul.f32 $1.442695020e+00, v9;
	(erf) = vpow2.f32 v6;
	v12 =	vadd.f32 v12, v17  }
0xb7: {  	v3 =	vsub.f32 v3, v59;
	v6 =	vsub.f32 v10, v59;
	v10 =	vld.idx.msk [tilespmem:v13+s2+$0x0], $0xffff;
	v13 =	vpop (erf);
	(erf) = vpow2.f32 v5  }
0xb8: {  	v22 =	vmovc v25;
	v25 =	vmovc v30;
	v5 =	vmul.f32 $1.442695020e+00, v7;
	(erf) = vpow2.f32 v9;
	v7 =	vadd.f32 v13, v12  }
0xb9: {  	v30 =	vmov v32;
	v9 =	vsub.f32 v15, v59;
	v13 =	vpop (erf);
	(erf) = vpow2.f32 v0  }
0xba: {  	v32 =	vmovc v36;
	v36 =	vmovc v38;
	v12 =	vld.idx.msk [tilespmem:v18+s2+$0x0], $0xffff;
	v0 =	vmul.f32 $1.442695020e+00, v6;
	(erf) = vpow2.f32 v5;
	v5 =	vadd.f32 v13, v7  }
0xbb: {  	v6 =	vsub.f32 v11, v59;
	v7 =	vld.idx.msk [tilespmem:v21+s2+$0x0], $0xffff;
	v21 =	vmov v24;
	v11 =	vpop (erf);
	(erf) = vpow2.f32 v1  }
0xbc: {  	v24 =	vmovc v31;
	v31 =	vmovc v35;
	v1 =	vmul.f32 $1.442695020e+00, v9;
	(erf) = vpow2.f32 v0;
	v0 =	vadd.f32 v11, v5  }
0xbd: {  	v5 =	vsub.f32 v10, v59;
	v10 =	vmul.f32 $1.442695020e+00, v19;
	v11 =	vpop (erf);
	(erf) = vpow2.f32 v2  }
0xbe: {  	v35 =	vmovc v37;
	v37 =	vmovc v39;
	v9 =	vld.idx.msk [tilespmem:v20+s2+$0x0], $0xffff;
	v13 =	vmul.f32 $1.442695020e+00, v6;
	(erf) = vpow2.f32 v1;
	v0 =	vadd.f32 v11, v0  }
0xbf: {  	v1 =	vsub.f32 v12, v59;
	v11 =	vadd.s32 s15, v31;
	v12 =	vpop (erf);
	(erf) = vpow2.f32 v10  }
0xc0: {  	v6 =	vld.idx.msk [tilespmem:v16+s2+$0x0], $0xffff;
	v5 =	vmul.f32 $1.442695020e+00, v5;
	(erf) = vpow2.f32 v13;
	v0 =	vadd.f32 v12, v0;
	v2 =	vpop (erf)  }
0xc1: {  	v7 =	vsub.f32 v7, v59;
	v10 =	vadd.s32 s15, v32;
	v14 =	vmul.f32 $1.442695020e+00, v1;
	v12 =	vpop (erf)  }
0xc2: {  	(erf) = vpow2.f32 v5;
	v12 =	vadd.f32 $0.0e+00, v12;
	v0 =	vadd.f32 v2, v0;
	v2 =	vpop (erf)  }
0xc3: {  	v5 =	vmul.f32 $1.442695020e+00, v7;
	v7 =	vsub.f32 v9, v59;
	v9 =	vadd.s32 s15, v35;
	v13 =	vpop (erf)  }
0xc4: {  	v8 =	vld.idx.msk [tilespmem:v8+s2+$0x0], $0xffff;
	(erf) = vpow2.f32 v14;
	v12 =	vadd.f32 v13, v12;
	v0 =	vadd.f32 v2, v0;
	v1 =	vpop (erf)  }
0xc5: {  	v6 =	vsub.f32 v6, v59;
	v2 =	vmul.f32 $1.442695020e+00, v7;
	v7 =	vld.idx.msk [tilespmem:v11+s2+$0x0], $0xffff;
	v11 =	vadd.s32 s15, v36;
	v13 =	vpop (erf)  }
0xc6: {  	(erf) = vpow2.f32 v5;
	v12 =	vadd.f32 v13, v12;
	v0 =	vadd.f32 v1, v0;
	v1 =	vpop (erf)  }
0xc7: {  	v38 =	vmov v40;
	v5 =	vmul.f32 $1.442695020e+00, v6;
	v6 =	vld.idx.msk [tilespmem:v10+s2+$0x0], $0xffff;
	v10 =	vadd.s32 s15, v37;
	v13 =	vpop (erf)  }
0xc8: {  	(erf) = vpow2.f32 v2;
	v12 =	vadd.f32 v13, v12;
	v0 =	vadd.f32 v1, v0;
	v1 =	vpop (erf)  }
0xc9: {  	v2 =	vmul.f32 $1.442695020e+00, v3;
	v3 =	vsub.f32 v8, v59;
	v8 =	vld.idx.msk [tilespmem:v9+s2+$0x0], $0xffff;
	v9 =	vadd.s32 s15, v38;
	v13 =	vpop (erf)  }
0xca: {  	v39 =	vmovc v41;
	(erf) = vpow2.f32 v5;
	v13 =	vadd.f32 v13, v12;
	v0 =	vadd.f32 v1, v0  }
0xcb: {  	v5 =	vld.idx.msk [tilespmem:v11+s2+$0x0], $0xffff;
	v1 =	vmul.f32 $1.442695020e+00, v3;
	v3 =	vsub.f32 v7, v59;
	v7 =	vadd.s32 s15, v39;
	v11 =	vpop (erf)  }
0xcc: {  	v40 =	vmovc v43;
	v43 =	vmovc v45;
	(erf) = vpow2.f32 v2;
	v11 =	vadd.f32 v11, v13;
	v2 =	vand.u32 $0x7FFFFF, v0  }
0xcd: {  	v6 =	vsub.f32 v6, v59;
	v3 =	vmul.f32 $1.442695020e+00, v3;
	v12 =	vpop (erf);
	v2 =	vor.u32 $0x3F800000, v2  }
0xce: {  	v45 =	vmovc v47;
	v47 =	vmovc v49;
	v10 =	vld.idx.msk [tilespmem:v10+s2+$0x0], $0xffff;
	(erf) = vpow2.f32 v1;
	v11 =	vadd.f32 v12, v11;
	v1 =	vmul.f32 $5.000000000e-01, v2  }
0xcf: {  	v6 =	vmul.f32 $1.442695020e+00, v6;
	v8 =	vsub.f32 v8, v59;
	v12 =	vpop (erf);
	vm0 =	vge.f32 v2, $1.414213540e+00  }
0xd0: {  	v41 =	vmovc v44;
	v9 =	vld.idx.msk [tilespmem:v9+s2+$0x0], $0xffff;
	(erf) = vpow2.f32 v3;
	v13 =	vadd.f32 v12, v11;
	v1 =	vsel vm0, v1, v2  }
0xd1: {  	v8 =	vmul.f32 $1.442695020e+00, v8;
	v3 =	vld.idx.msk [tilespmem:v7+s2+$0x0], $0xffff;
	v2 =	vsub.f32 v5, v59;
	v7 =	vpop (erf);
	v12 =	vadd.f32 $1.000000000e+00, v1  }
0xd2: {  	v4 =	vld.idx.msk [tilespmem:v4+s2+$0x0], $0xffff;
	v49 =	vmovc v51;
	v44 =	vmovc v46;
	v5 =	vadd.s32 s15, v41;
	(erf) = vpow2.f32 v6;
	v7 =	vadd.f32 v7, v13  }
0xd3: {  	v6 =	vsub.f32 v10, v59;
	v10 =	vadd.s32 s15, v49;
	v11 =	vpop (erf);
	(erf) = vrcp.f32 v12  }
0xd4: {  	v46 =	vmovc v48;
	v48 =	vmovc v50;
	v2 =	vmul.f32 $1.442695020e+00, v2;
	v7 =	vadd.f32 v11, v7;
	(erf) = vpow2.f32 v8  }
0xd5: {  	v6 =	vmul.f32 $1.442695020e+00, v6;
	v8 =	vsub.f32 v9, v59;
	v9 =	vld.idx.msk [tilespmem:v57+s2+$0x0], $0xffff;
	v11 =	vadd.s32 s15, v43;
	v13 =	vpop (erf)  }
0xd6: {  	v12 =	vadd.s32 s15, v48;
	(erf) = vpow2.f32 v2;
	v7 =	vadd.f32 v13, v7  }
0xd7: {  	v4 =	vsub.f32 v4, v59;
	v2 =	vsub.f32 v3, v59;
	v3 =	vld.idx.msk [tilespmem:v5+s2+$0x0], $0xffff;
	v5 =	vadd.s32 s15, v44;
	v14 =	vpop (erf)  }
0xd8: {  	v8 =	vmul.f32 $1.442695020e+00, v8;
	(erf) = vpow2.f32 v6;
	v7 =	vadd.f32 v14, v7  }
0xd9: {  	v10 =	vld.idx.msk [tilespmem:v10+s2+$0x0], $0xffff;
	v6 =	vadd.s32 s15, v45;
	v15 =	vpop (erf);
	v17 =	vmul.f32 $1.442695020e+00, v2;
	v14 =	vadd.s32 s15, v46  }
0xda: {  	(erf) = vpow2.f32 v8;
	v8 =	vsub.f32 v9, v59;
	v9 =	vld.idx.msk [tilespmem:v11+s2+$0x0], $0xffff;
	v7 =	vadd.f32 v15, v7  }
0xdb: {  	v4 =	vmul.f32 $1.442695020e+00, v4;
	v51 =	vmov v53;
	v1 =	vadd.f32 $-1.000000000e+00, v1;
	v12 =	vld.idx.msk [tilespmem:v12+s2+$0x0], $0xffff;
	v15 =	vpop (erf)  }
0xdc: {  	v11 =	vadd.s32 s15, v47;
	v5 =	vld.idx.msk [tilespmem:v5+s2+$0x0], $0xffff;
	(erf) = vpow2.f32 v17;
	v7 =	vadd.f32 v15, v7;
	v2 =	vpop (erf)  }
0xdd: {  	v3 =	vsub.f32 v3, v59;
	v15 =	vadd.s32 s15, v51;
	v16 =	vpop (erf);
	v1 =	vmul.f32 v2, v1  }
0xde: {  	(erf) = vpow2.f32 v4;
	v4 =	vld.idx.msk [tilespmem:v6+s2+$0x0], $0xffff;
	v2 =	vadd.f32 v16, v7;
	v7 =	vmul.f32 $1.442695020e+00, v8  }
0xdf: {  	v3 =	vmul.f32 $1.442695020e+00, v3;
	v6 =	vsub.f32 v10, v59;
	v8 =	vld.idx.msk [tilespmem:v14+s2+$0x0], $0xffff;
	v14 =	vpop (erf);
	v17 =	vsub.f32 v9, v59  }
0xe0: {  	v50 =	vmovc v52;
	v16 =	vmul.f32 v1, v1;
	v2 =	vadd.f32 v14, v2;
	(erf) = vpow2.f32 v7  }
0xe1: {  	v10 =	vadd.s32 s15, v50;
	v9 =	vsub.f32 v12, v59;
	v12 =	vpop (erf);
	v5 =	vsub.f32 v5, v59  }
0xe2: {  	v11 =	vld.idx.msk [tilespmem:v11+s2+$0x0], $0xffff;
	v14 =	vmul.f32 $2.857142980e-01, v16;
	(erf) = vpow2.f32 v3;
	v2 =	vadd.f32 v12, v2  }
0xe3: {  	v3 =	vmul.f32 $1.442695020e+00, v17;
	v5 =	vmul.f32 $1.442695020e+00, v5;
	v7 =	vpop (erf);
	v4 =	vsub.f32 v4, v59  }
0xe4: {  	(erf) = vrcp.f32 v0;
	v12 =	vadd.f32 $4.000000060e-01, v14;
	v2 =	vadd.f32 v7, v2  }
0xe5: {  	v0 =	vshra.s32 v0, $0x17;
	v7 =	vsub.f32 v8, v59;
	v8 =	vpop (erf);
	(erf) = vpow2.f32 v3  }
0xe6: {  	v4 =	vmul.f32 $1.442695020e+00, v4;
	v3 =	vmul.f32 v12, v16;
	v2 =	vadd.f32 v8, v2  }
0xe7: {  	v8 =	vsub.f32 v11, v59;
	v11 =	vpop (erf);
	(erf) = vpow2.f32 v5;
	v5 =	vld.idx.msk [tilespmem:v10+s2+$0x0], $0xffff;
	v10 =	vimm.s32 $0x0  }
0xe8: {  	v52 =	vmovc v54;
	v7 =	vmul.f32 $1.442695020e+00, v7;
	v3 =	vadd.f32 $6.666666860e-01, v3;
	v10 =	vsel vm0, $0x1, v10  }
0xe9: {  	v2 =	vadd.f32 v11, v2;
	v0 =	vadd.s32 v10, v0;
	v11 =	vpop (erf);
	(erf) = vpow2.f32 v4  }
0xea: {  	v13 =	vadd.s32 s15, v52;
	v3 =	vmul.f32 v3, v16;
	v0 =	vadd.s32 $0xFFFFFF81, v0  }
0xeb: {  	v2 =	vadd.f32 v11, v2;
	v11 =	vmul.f32 $1.442695020e+00, v8;
	v10 =	vpop (erf);
	(erf) = vpow2.f32 v7  }
0xec: {  	v0 =	vcvt.s32.f32 v0;
	v7 =	vmul.f32 $1.442695020e+00, v9;
	v3 =	vadd.f32 $2.000000000e+00, v3  }
0xed: {  	v4 =	vpop (erf);
	v5 =	vsub.f32 v5, v59;
	v2 =	vadd.f32 v10, v2;
	(erf) = vpow2.f32 v11  }
0xee: {  	v8 =	vld.idx.msk [tilespmem:v15+s2+$0x0], $0xffff;
	v0 =	vmul.f32 $6.931471820e-01, v0;
	v1 =	vmul.f32 v3, v1;
	v3 =	vsub.f32 $1.000000000e+00, v4;
	v10 =	vpop (erf)  }
0xef: {  	v9 =	vld.idx.msk [tilespmem:v13+s2+$0x0], $0xffff;
	v4 =	vmul.f32 $1.442695020e+00, v6;
	(erf) = vpow2.f32 v7;
	v2 =	vadd.f32 v10, v2  }
0xf0: {  	v0 =	vadd.f32 v1, v0;
	v1 =	vmul.f32 v3, v3;
	v3 =	vmul.f32 $1.442695020e+00, v5  }
0xf1: {  	v10 =	vpop (erf);
	(erf) = vpow2.f32 v4  }
0xf2: {  	v2 =	vadd.f32 v10, v2;
	v10 =	vpop (erf);
	(erf) = vpow2.f32 v3;
	v3 =	vld [tilespmem:$0x1FE80]  }
0xf3: {  	v54 =	vmov v56;
	v6 =	vld.idx.msk [tilespmem:v63+s2+$0x0], $0xffff;
	v5 =	vsub.f32 v8, v59  }
0xf4: {  	v56 =	vmovc v34;
	v34 =	vmovc v28;
	v28 =	vmov v29;
	v14 =	vadd.s32 s15, v58;
	v4 =	vsub.f32 v9, v59  }
0xf5: {  	v29 =	vmovc v26;
	v7 =	vld.idx.msk [tilespmem:v62+s2+$0x0], $0xffff;
	v0 =	vmul.f32 v0, v1;
	v1 =	vmul.f32 $1.442695020e+00, v5;
	v2 =	vadd.f32 v10, v2  }
0xf6: {  	v8 =	vadd.s32 s15, v34;
	v9 =	vadd.s32 s15, v28;
	v5 =	vld.idx.msk [tilespmem:v23+s2+$0x0], $0xffff;
	v4 =	vmul.f32 $1.442695020e+00, v4;
	v11 =	vpop (erf)  }
0xf7: {  	v11 =	vadd.f32 v11, v2;
	v12 =	vpop (erf);
	(erf) = vpow2.f32 v1;
	v3 =	vadd.f32 v0, v3  }
0xf8: {  	v10 =	vadd.s32 s15, v29;
	v1 =	vld [tilespmem:$0x1FF40];
	v0 =	vsub.f32 v6, v59  }
0xf9: {  	v11 =	vadd.f32 v12, v11;
	v12 =	vpop (erf);
	(erf) = vpow2.f32 v4;
	[tilespmem:$0x1FE80] =	vst v3;
	v3 =	vld [tilespmem:$0x1FE90]  }
0xfa: {  	v14 =	vld.idx.msk [tilespmem:v14+s2+$0x0], $0xffff;
	v7 =	vsub.f32 v7, v59;
	v0 =	vmul.f32 $1.442695020e+00, v0  }
0xfb: {  	v9 =	vld.idx.msk [tilespmem:v9+s2+$0x0], $0xffff;
	v4 =	vsub.f32 v5, v59;
	v5 =	vadd.f32 v12, v11  }
0xfc: {  	v8 =	vld.idx.msk [tilespmem:v8+s2+$0x0], $0xffff;
	v12 =	vpop (erf);
	(erf) = vpow2.f32 v0  }
0xfd: {  	v13 =	vadd.s32 s15, v27;
	v7 =	vmul.f32 $1.442695020e+00, v7;
	v10 =	vld.idx.msk [tilespmem:v10+s2+$0x0], $0xffff;
	v12 =	vadd.f32 v12, v5  }
0xfe: {  	v4 =	vmul.f32 $1.442695020e+00, v4;
	v2 =	vadd.s32 s15, v1;
	v1 =	vld [tilespmem:$0x1FEE0];
	v15 =	vpop (erf)  }
0xff: {  	v11 =	vadd.s32 s15, v42;
	v0 =	vld [tilespmem:$0x1FED0];
	(erf) = vpow2.f32 v7;
	v12 =	vadd.f32 v15, v12  }
0x100: {  	v5 =	vld [tilespmem:$0x1FEC0];
	(erf) = vpow2.f32 v4;
	v4 =	vsub.f32 v9, v59;
	v9 =	vpop (erf)  }
0x101: {  	v9 =	vadd.f32 v9, v12;
	v6 =	vld.idx.msk [tilespmem:v3+s2+$0x0], $0xffff  }
0x102: {  	v7 =	vsub.f32 v8, v59;
	v8 =	vld.idx.msk [tilespmem:v13+s2+$0x0], $0xffff;
	v17 =	vpop (erf)  }
0x103: {  	v17 =	vadd.f32 v17, v9;
	v9 =	vld [tilespmem:$0x1FFA0]  }
0x104: {  	v10 =	vsub.f32 v10, v59;
	v11 =	vld.idx.msk [tilespmem:v11+s2+$0x0], $0xffff  }
0x105: {  	v19 =	vmul.f32 $1.442695020e+00, v7;
	v7 =	vld [tilespmem:$0x1FFC0];
	v12 =	vpop (erf)  }
0x106: {  	v12 =	vadd.f32 v12, v17;
	v17 =	vmul.f32 $1.442695020e+00, v10;
	v10 =	vld [tilespmem:$0x1FFE0];
	v6 =	vsub.f32 v6, v59  }
0x107: {  	v3 =	vld [tilespmem:$0x1FEF0]  }
0x108: {  	v18 =	vadd.s32 s15, v9;
	v9 =	vld [tilespmem:$0x1FFB0];
	v15 =	vmul.f32 $1.442695020e+00, v6  }
0x109: {  	v13 =	vadd.s32 s15, v33;
	v6 =	vld [tilespmem:$0x1FF90]  }
0x10a: {  	v16 =	vadd.s32 s15, v60;
	(erf) = vpow2.f32 v15;
	v15 =	vadd.s32 s15, v7;
	v7 =	vld [tilespmem:$0x1FEB0]  }
0x10b: {  	v8 =	vsub.f32 v8, v59;
	(erf) = vpow2.f32 v19;
	v19 =	vadd.s32 s15, v10;
	v10 =	vld [tilespmem:$0x1FFF0]  }
0x10c: {  	v1 =	vadd.s32 s15, v1;
	v4 =	vmul.f32 $1.442695020e+00, v4  }
0x10d: {  	v0 =	vadd.s32 s15, v0;
	v5 =	vadd.s32 s15, v5;
	v8 =	vmul.f32 $1.442695020e+00, v8  }
0x10e: {  	v13 =	vld.idx.msk [tilespmem:v13+s2+$0x0], $0xffff;
	v3 =	vadd.s32 s15, v3;
	v9 =	vadd.s32 s15, v9;
	(erf) = vpow2.f32 v4  }
0x10f: {  	v4 =	vsub.f32 v14, v59;
	v14 =	vld.idx.msk [tilespmem:v16+s2+$0x0], $0xffff;
	v16 =	vpop (erf);
	v6 =	vadd.s32 s15, v6;
	(erf) = vpow2.f32 v17  }
0x110: {  	v17 =	vsub.f32 v11, v59;
	v11 =	vld [tilespmem:$0x1FFD0];
	v7 =	vadd.s32 s15, v7;
	v10 =	vadd.s32 s15, v10;
	s15 =	sadd.s32 $0x390, s15  }
0x111: {  	v53 =	vmovc v61;
	v20 =	vadd.f32 v16, v12;
	v12 =	vadd.s32 s15, v56;
	v63 =	vadd.s32 s15, v61;
	v61 =	vld [tilespmem:$0x1FF20]  }
0x112: {  	v26 =	vmov v27;
	v27 =	vmul.f32 $1.442695020e+00, v4;
	[tilespmem:$0x1FE90] =	vst v12;
	v12 =	vld.idx.msk [tilespmem:v15+s2+$0x0], $0xffff;
	v15 =	vpop (erf)  }
0x113: {  	p1 =	seq.s32 s18, $0x1F0;
	(erf) = vpow2.f32 v8;
	v8 =	vsub.f32 v13, v59;
	v13 =	vld.idx.msk [tilespmem:v18+s2+$0x0], $0xffff;
	v15 =	vadd.f32 v15, v20  }
.Ltmp0:
0x114: {  	s19 =	sand.u32 $0x180, s18;
	v16 =	vpop (erf);
	(erf) = vpow2.f32 v27;
	v27 =	vld [tilespmem:$0x1FF10];
	(pc) =	sbr.rel @!p1 .LBB2_4-.Ltmp0, $4  }
0x115: {  	s20 =	sand.u32 $0x70, s18;
	s19 =	sadd.s32 s19, s17;
	v18 =	vadd.f32 v16, v15;
	v15 =	vld.idx.msk [tilespmem:v19+s2+$0x0], $0xffff  }
0x116: {  	s19 =	sadd.s32 s20, s19;
	v62 =	vadd.s32 s15, v54;
	v23 =	vadd.s32 s15, v55;
	v20 =	vmul.f32 $1.442695020e+00, v17;
	v19 =	vld [tilespmem:$0x1FF00]  }
0x117: {  	v57 =	vadd.s32 s15, v40;
	v11 =	vadd.s32 s16, v11;
	v4 =	vpop (erf);
	v16 =	vsub.f32 v14, v59;
	v14 =	vld [tilespmem:s19+$0x0]  }
0x118: {  	s18 =	sadd.s32 $0x10, s18;
	s16 =	smov.u32 s15;
	(erf) = vpow2.f32 v20;
	v20 =	vld [tilespmem:$0x1FF30];
	v17 =	vadd.f32 v4, v18;
	v18 =	vmul.f32 $1.442695020e+00, v8  }
0x119: {  	v4 =	vpop (erf);
	v8 =	vsub.f32 v12, v59;
	v12 =	vmul.f32 $1.442695020e+00, v16  }
0x11a: {  	v4 =	vadd.f32 v4, v17  }
0x11b: {  	(erf) = vpow2.f32 v18;
	v16 =	vpop (erf)  }
0x11c: {  	v13 =	vsub.f32 v13, v59;
	v4 =	vadd.f32 v16, v4  }
0x11d: {  	v11 =	vld.idx.msk [tilespmem:v11+s2+$0x0], $0xffff;
	v8 =	vmul.f32 $1.442695020e+00, v8;
	(erf) = vpow2.f32 v12;
	v12 =	vpop (erf)  }
0x11e: {  	v13 =	vmul.f32 $1.442695020e+00, v13;
	v4 =	vadd.f32 v12, v4;
	v12 =	vsub.f32 v15, v59  }
0x11f: {  	(erf) = vpow2.f32 v8;
	v8 =	vld.idx.msk [tilespmem:v10+s2+$0x0], $0xffff;
	v10 =	vpop (erf)  }
0x120: {  	v4 =	vadd.f32 v10, v4;
	v10 =	vmul.f32 $1.442695020e+00, v12  }
0x121: {  	v7 =	vld.idx.msk [tilespmem:v7+s2+$0x0], $0xffff;
	(erf) = vpow2.f32 v13  }
0x122: {  	v9 =	vld.idx.msk [tilespmem:v9+s2+$0x0], $0xffff;
	v13 =	vpop (erf);
	(erf) = vpow2.f32 v10;
	v10 =	vsub.f32 v11, v59  }
0x123: {  	v4 =	vadd.f32 v13, v4  }
0x124: {  	v3 =	vld.idx.msk [tilespmem:v3+s2+$0x0], $0xffff;
	v8 =	vsub.f32 v8, v59;
	v11 =	vpop (erf);
	v10 =	vmul.f32 $1.442695020e+00, v10  }
0x125: {  	v6 =	vld.idx.msk [tilespmem:v6+s2+$0x0], $0xffff;
	v12 =	vadd.s32 s15, v20;
	v4 =	vadd.f32 v11, v4  }
0x126: {  	v5 =	vld.idx.msk [tilespmem:v5+s2+$0x0], $0xffff;
	v7 =	vsub.f32 v7, v59;
	v13 =	vpop (erf);
	v8 =	vmul.f32 $1.442695020e+00, v8  }
0x127: {  	v0 =	vld.idx.msk [tilespmem:v0+s2+$0x0], $0xffff;
	v9 =	vsub.f32 v9, v59;
	v14 =	vadd.s32 v12, v14;
	v4 =	vadd.f32 v13, v4  }
0x128: {  	v1 =	vld.idx.msk [tilespmem:v1+s2+$0x0], $0xffff;
	v7 =	vmul.f32 $1.442695020e+00, v7;
	(erf) = vpow2.f32 v10;
	v10 =	vpop (erf)  }
0x129: {  	v15 =	vld [tilespmem:$0x1FF50];
	v9 =	vmul.f32 $1.442695020e+00, v9;
	v11 =	vadd.s32 s15, v21;
	v4 =	vadd.f32 v10, v4  }
0x12a: {  	v12 =	vld.idx.msk [tilespmem:v12+s2+$0x0], $0xffff;
	(erf) = vpow2.f32 v8;
	v8 =	vpop (erf)  }
0x12b: {  	v13 =	vadd.s32 s15, v22;
	(erf) = vpow2.f32 v9;
	v4 =	vadd.f32 v8, v4;
	v8 =	vld [tilespmem:$0x1FF70]  }
0x12c: {  	v16 =	vld.idx.msk [tilespmem:v14+s2+$0x0], $0xffff;
	(erf) = vpow2.f32 v7;
	v7 =	vpop (erf)  }
0x12d: {  	v6 =	vsub.f32 v6, v59;
	v4 =	vadd.f32 v7, v4;
	v7 =	vld [tilespmem:$0x1FF80]  }
0x12e: {  	v9 =	vld.idx.msk [tilespmem:v11+s2+$0x0], $0xffff  }
0x12f: {  	v6 =	vmul.f32 $1.442695020e+00, v6;
	v14 =	vld [tilespmem:$0x1FF60]  }
0x130: {  	v3 =	vsub.f32 v3, v59;
	v5 =	vsub.f32 v5, v59;
	v10 =	vld.idx.msk [tilespmem:v13+s2+$0x0], $0xffff;
	v8 =	vadd.s32 s15, v8  }
0x131: {  	v2 =	vld.idx.msk [tilespmem:v2+s2+$0x0], $0xffff;
	(erf) = vpow2.f32 v6;
	v6 =	vadd.s32 s15, v15;
	v11 =	vsub.f32 v12, v16  }
0x132: {  	v0 =	vsub.f32 v0, v59;
	v5 =	vmul.f32 $1.442695020e+00, v5;
	v7 =	vadd.s32 s15, v7  }
0x133: {  	v1 =	vsub.f32 v1, v59;
	v11 =	vmul.f32 $1.442695020e+00, v11;
	v9 =	vsub.f32 v9, v16  }
0x134: {  	v0 =	vmul.f32 $1.442695020e+00, v0;
	(erf) = vpow2.f32 v5;
	v5 =	vadd.s32 s15, v14  }
0x135: {  	(erf) = vpow2.f32 v11;
	v10 =	vsub.f32 v10, v16;
	v9 =	vmul.f32 $1.442695020e+00, v9;
	v8 =	vld.idx.msk [tilespmem:v8+s2+$0x0], $0xffff  }
0x136: {  	v2 =	vsub.f32 v2, v59;
	v1 =	vmul.f32 $1.442695020e+00, v1;
	v6 =	vld.idx.msk [tilespmem:v6+s2+$0x0], $0xffff;
	(erf) = vpow2.f32 v0  }
0x137: {  	v11 =	vpop (erf);
	(erf) = vpow2.f32 v9;
	v9 =	vmul.f32 $1.442695020e+00, v10;
	v7 =	vld.idx.msk [tilespmem:v7+s2+$0x0], $0xffff  }
0x138: {  	v2 =	vmul.f32 $1.442695020e+00, v2;
	v3 =	vmul.f32 $1.442695020e+00, v3;
	v4 =	vadd.f32 v11, v4  }
0x139: {  	v11 =	vadd.s32 s15, v25;
	v0 =	vpop (erf);
	(erf) = vpow2.f32 v1;
	v1 =	vadd.s32 s15, v24  }
0x13a: {  	v5 =	vld.idx.msk [tilespmem:v5+s2+$0x0], $0xffff;
	v0 =	vadd.f32 v0, v4;
	(erf) = vpow2.f32 v9;
	v8 =	vsub.f32 v8, v16  }
0x13b: {  	v4 =	vadd.s32 s15, v30;
	v9 =	vpop (erf);
	(erf) = vpow2.f32 v2;
	v2 =	vsub.f32 v6, v16  }
0x13c: {  	v0 =	vadd.f32 v9, v0;
	v7 =	vsub.f32 v7, v16;
	v8 =	vmul.f32 $1.442695020e+00, v8  }
0x13d: {  	v6 =	vpop (erf);
	v2 =	vmul.f32 $1.442695020e+00, v2  }
0x13e: {  	v10 =	vld.idx.msk [tilespmem:v11+s2+$0x0], $0xffff;
	v0 =	vadd.f32 v6, v0;
	v6 =	vpop (erf);
	v7 =	vmul.f32 $1.442695020e+00, v7;
	(erf) = vpow2.f32 v8  }
0x13f: {  	v5 =	vsub.f32 v5, v16;
	v9 =	vadd.s32 s15, v61;
	v1 =	vld.idx.msk [tilespmem:v1+s2+$0x0], $0xffff;
	(erf) = vpow2.f32 v3;
	v3 =	vpop (erf)  }
0x140: {  	v0 =	vadd.f32 v6, v0;
	(erf) = vpow2.f32 v7;
	v7 =	vadd.s32 s15, v19;
	v6 =	vpop (erf)  }
0x141: {  	v5 =	vmul.f32 $1.442695020e+00, v5;
	v4 =	vld.idx.msk [tilespmem:v4+s2+$0x0], $0xffff;
	v6 =	vadd.f32 $0.0e+00, v6;
	(erf) = vpow2.f32 v2;
	v2 =	vpop (erf)  }
0x142: {  	v0 =	vadd.f32 v3, v0;
	v3 =	vpop (erf)  }
0x143: {  	v8 =	vsub.f32 v10, v16;
	v3 =	vadd.f32 v3, v6  }
0x144: {  	v9 =	vld.idx.msk [tilespmem:v9+s2+$0x0], $0xffff;
	v1 =	vsub.f32 v1, v16  }
0x145: {  	v10 =	vadd.s32 s15, v31;
	v8 =	vmul.f32 $1.442695020e+00, v8;
	(erf) = vpow2.f32 v5;
	v5 =	vpop (erf);
	v7 =	vld.idx.msk [tilespmem:v7+s2+$0x0], $0xffff  }
0x146: {  	v4 =	vsub.f32 v4, v16;
	v1 =	vmul.f32 $1.442695020e+00, v1;
	v0 =	vadd.f32 v2, v0;
	v2 =	vpop (erf)  }
0x147: {  	(erf) = vpow2.f32 v8;
	v2 =	vadd.f32 v2, v3;
	v3 =	vpop (erf)  }
0x148: {  	v4 =	vmul.f32 $1.442695020e+00, v4;
	v6 =	vadd.s32 s15, v32;
	v0 =	vadd.f32 v5, v0;
	v5 =	vpop (erf)  }
0x149: {  	v9 =	vsub.f32 v9, v16;
	v8 =	vadd.s32 s15, v35;
	v2 =	vadd.f32 v5, v2;
	v5 =	vpop (erf)  }
0x14a: {  	(erf) = vpow2.f32 v1;
	v0 =	vadd.f32 v3, v0;
	v1 =	vpop (erf);
	v7 =	vsub.f32 v7, v16  }
0x14b: {  	v10 =	vld.idx.msk [tilespmem:v10+s2+$0x0], $0xffff;
	v9 =	vmul.f32 $1.442695020e+00, v9;
	v3 =	vadd.s32 s15, v36;
	v1 =	vadd.f32 v1, v2  }
0x14c: {  	(erf) = vpow2.f32 v4;
	v59 =	vadd.f32 v5, v0;
	v4 =	vpop (erf);
	v5 =	vmul.f32 $1.442695020e+00, v7  }
0x14d: {  	v6 =	vld.idx.msk [tilespmem:v6+s2+$0x0], $0xffff;
	v1 =	vadd.f32 v4, v1  }
0x14e: {  	(erf) = vpow2.f32 v9;
	v2 =	vadd.s32 s15, v37;
	v4 =	vld.idx.msk [tilespmem:v8+s2+$0x0], $0xffff;
	v8 =	vpop (erf)  }
0x14f: {  	v0 =	vadd.s32 s15, v38;
	v1 =	vadd.f32 v8, v1;
	v8 =	vand.u32 $0x7FFFFF, v59  }
0x150: {  	v7 =	vsub.f32 v10, v16;
	v3 =	vld.idx.msk [tilespmem:v3+s2+$0x0], $0xffff;
	(erf) = vpow2.f32 v5;
	v8 =	vor.u32 $0x3F800000, v8;
	v5 =	vpop (erf)  }
0x151: {  	v1 =	vadd.f32 v5, v1;
	v5 =	vmul.f32 $5.000000000e-01, v8  }
0x152: {  	v9 =	vadd.s32 s15, v39;
	v6 =	vsub.f32 v6, v16;
	v7 =	vmul.f32 $1.442695020e+00, v7  }
0x153: {  	v2 =	vld.idx.msk [tilespmem:v2+s2+$0x0], $0xffff  }
0x154: {  	v6 =	vmul.f32 $1.442695020e+00, v6;
	(erf) = vpow2.f32 v7;
	vm0 =	vge.f32 v8, $1.414213540e+00  }
0x155: {  	v0 =	vld.idx.msk [tilespmem:v0+s2+$0x0], $0xffff;
	v4 =	vsub.f32 v4, v16;
	v3 =	vsub.f32 v3, v16;
	v13 =	vsel vm0, v5, v8;
	v5 =	vpop (erf)  }
0x156: {  	v7 =	vadd.s32 s15, v27;
	v1 =	vadd.f32 v5, v1;
	v5 =	vadd.f32 $1.000000000e+00, v13  }
0x157: {  	v8 =	vld.idx.msk [tilespmem:v9+s2+$0x0], $0xffff;
	v4 =	vmul.f32 $1.442695020e+00, v4;
	(erf) = vpow2.f32 v6  }
0x158: {  	v3 =	vmul.f32 $1.442695020e+00, v3;
	v2 =	vsub.f32 v2, v16;
	v6 =	vpop (erf);
	(erf) = vrcp.f32 v5  }
0x159: {  	v1 =	vadd.f32 v6, v1;
	(erf) = vpow2.f32 v4;
	v4 =	vadd.s32 s15, v41  }
0x15a: {  	v0 =	vsub.f32 v0, v16;
	v6 =	vpop (erf);
	(erf) = vpow2.f32 v3;
	v3 =	vadd.s32 s15, v43  }
0x15b: {  	v2 =	vmul.f32 $1.442695020e+00, v2;
	v5 =	vld.idx.msk [tilespmem:v7+s2+$0x0], $0xffff;
	v1 =	vadd.f32 v6, v1  }
0x15c: {  	v0 =	vmul.f32 $1.442695020e+00, v0;
	v7 =	vpop (erf);
	v6 =	vsub.f32 v8, v16;
	v8 =	vld.idx.msk [tilespmem:v57+s2+$0x0], $0xffff  }
0x15d: {  	(erf) = vpow2.f32 v2;
	v2 =	vadd.s32 s15, v44;
	v1 =	vadd.f32 v7, v1  }
0x15e: {  	v7 =	vpop (erf);
	v6 =	vmul.f32 $1.442695020e+00, v6;
	v4 =	vld.idx.msk [tilespmem:v4+s2+$0x0], $0xffff  }
0x15f: {  	(erf) = vpow2.f32 v0;
	v1 =	vadd.f32 v7, v1;
	v3 =	vld.idx.msk [tilespmem:v3+s2+$0x0], $0xffff  }
0x160: {  	v5 =	vsub.f32 v5, v16;
	v7 =	vadd.s32 s15, v45;
	v0 =	vpop (erf);
	(erf) = vpow2.f32 v6  }
0x161: {  	v6 =	vadd.s32 s15, v46;
	v8 =	vsub.f32 v8, v16;
	v1 =	vadd.f32 v0, v1;
	v12 =	vpop (erf)  }
0x162: {  	v5 =	vmul.f32 $1.442695020e+00, v5;
	v2 =	vld.idx.msk [tilespmem:v2+s2+$0x0], $0xffff;
	v9 =	vpop (erf)  }
0x163: {  	v8 =	vmul.f32 $1.442695020e+00, v8;
	v1 =	vadd.f32 v9, v1;
	v4 =	vsub.f32 v4, v16  }
0x164: {  	(erf) = vpow2.f32 v5;
	v5 =	vadd.s32 s15, v47;
	v9 =	vpop (erf);
	v3 =	vsub.f32 v3, v16  }
0x165: {  	v7 =	vld.idx.msk [tilespmem:v7+s2+$0x0], $0xffff;
	v1 =	vadd.f32 v9, v1;
	v9 =	vadd.s32 s15, v48;
	v4 =	vmul.f32 $1.442695020e+00, v4  }
0x166: {  	(erf) = vpow2.f32 v8;
	v6 =	vld.idx.msk [tilespmem:v6+s2+$0x0], $0xffff  }
0x167: {  	v8 =	vpop (erf);
	v2 =	vsub.f32 v2, v16;
	v3 =	vmul.f32 $1.442695020e+00, v3  }
0x168: {  	v1 =	vadd.f32 v8, v1  }
0x169: {  	v5 =	vld.idx.msk [tilespmem:v5+s2+$0x0], $0xffff;
	v8 =	vadd.s32 s15, v49;
	(erf) = vpow2.f32 v4;
	v2 =	vmul.f32 $1.442695020e+00, v2;
	v4 =	vpop (erf)  }
0x16a: {  	v7 =	vsub.f32 v7, v16;
	(erf) = vrcp.f32 v59;
	v1 =	vadd.f32 v4, v1;
	v9 =	vld.idx.msk [tilespmem:v9+s2+$0x0], $0xffff  }
0x16b: {  	v6 =	vsub.f32 v6, v16;
	v4 =	vadd.s32 s15, v50;
	(erf) = vpow2.f32 v3;
	v3 =	vpop (erf)  }
0x16c: {  	v7 =	vmul.f32 $1.442695020e+00, v7;
	v1 =	vadd.f32 v3, v1  }
0x16d: {  	v6 =	vmul.f32 $1.442695020e+00, v6;
	(erf) = vpow2.f32 v2;
	v2 =	vpop (erf)  }
0x16e: {  	v5 =	vsub.f32 v5, v16;
	v3 =	vadd.s32 s15, v51;
	v8 =	vld.idx.msk [tilespmem:v8+s2+$0x0], $0xffff;
	v1 =	vadd.f32 v2, v1  }
0x16f: {  	(erf) = vpow2.f32 v7;
	v2 =	vadd.s32 s15, v52;
	v7 =	vsub.f32 v9, v16;
	v9 =	vpop (erf)  }
0x170: {  	v4 =	vld.idx.msk [tilespmem:v4+s2+$0x0], $0xffff;
	v1 =	vadd.f32 v9, v1  }
0x171: {  	v5 =	vmul.f32 $1.442695020e+00, v5  }
0x172: {  	(erf) = vpow2.f32 v6;
	v6 =	vpop (erf)  }
0x173: {  	v3 =	vld.idx.msk [tilespmem:v3+s2+$0x0], $0xffff;
	v7 =	vmul.f32 $1.442695020e+00, v7;
	v8 =	vsub.f32 v8, v16;
	v6 =	vadd.f32 v6, v1  }
0x174: {  	(erf) = vpow2.f32 v5;
	v2 =	vld.idx.msk [tilespmem:v2+s2+$0x0], $0xffff;
	v1 =	vpop (erf)  }
0x175: {  	v10 =	vld [tilespmem:$0x1FE90];
	(erf) = vpow2.f32 v7;
	v7 =	vmul.f32 $1.442695020e+00, v8;
	v4 =	vsub.f32 v4, v16;
	v5 =	vpop (erf)  }
0x176: {  	v8 =	vld.idx.msk [tilespmem:v63+s2+$0x0], $0xffff;
	v5 =	vadd.f32 v5, v6  }
0x177: {  	v6 =	vpop (erf);
	v4 =	vmul.f32 $1.442695020e+00, v4  }
0x178: {  	v3 =	vsub.f32 v3, v16;
	(erf) = vpow2.f32 v7;
	v5 =	vadd.f32 v6, v5;
	v6 =	vld.idx.msk [tilespmem:v62+s2+$0x0], $0xffff  }
0x179: {  	v7 =	vpop (erf);
	v2 =	vsub.f32 v2, v16;
	(erf) = vpow2.f32 v4;
	v4 =	vadd.s32 s15, v34  }
0x17a: {  	v3 =	vmul.f32 $1.442695020e+00, v3;
	v5 =	vadd.f32 v7, v5  }
0x17b: {  	v9 =	vld.idx.msk [tilespmem:v23+s2+$0x0], $0xffff;
	v7 =	vsub.f32 v8, v16;
	v8 =	vpop (erf);
	v2 =	vmul.f32 $1.442695020e+00, v2  }
0x17c: {  	(erf) = vpow2.f32 v3;
	v3 =	vadd.s32 s15, v28;
	v5 =	vadd.f32 v8, v5  }
0x17d: {  	v10 =	vld.idx.msk [tilespmem:v10+s2+$0x0], $0xffff;
	v8 =	vpop (erf);
	v7 =	vmul.f32 $1.442695020e+00, v7;
	v6 =	vsub.f32 v6, v16  }
0x17e: {  	(erf) = vpow2.f32 v2;
	v2 =	vadd.s32 s15, v29;
	v4 =	vld.idx.msk [tilespmem:v4+s2+$0x0], $0xffff;
	v5 =	vadd.f32 v8, v5  }
0x17f: {  	v8 =	vpop (erf);
	(erf) = vpow2.f32 v7;
	v6 =	vmul.f32 $1.442695020e+00, v6  }
0x180: {  	v7 =	vadd.s32 s15, v26;
	v5 =	vadd.f32 v8, v5;
	v8 =	vsub.f32 v9, v16  }
0x181: {  	v3 =	vld.idx.msk [tilespmem:v3+s2+$0x0], $0xffff;
	v9 =	vpop (erf);
	(erf) = vpow2.f32 v6;
	v6 =	vadd.s32 s15, v58  }
0x182: {  	v5 =	vadd.f32 v9, v5;
	v9 =	vsub.f32 v10, v16;
	v8 =	vmul.f32 $1.442695020e+00, v8  }
0x183: {  	v2 =	vld.idx.msk [tilespmem:v2+s2+$0x0], $0xffff;
	v10 =	vpop (erf);
	v4 =	vsub.f32 v4, v16  }
0x184: {  	v5 =	vadd.f32 v10, v5;
	v10 =	vadd.s32 s15, v42;
	v9 =	vmul.f32 $1.442695020e+00, v9  }
0x185: {  	v7 =	vld.idx.msk [tilespmem:v7+s2+$0x0], $0xffff;
	(erf) = vpow2.f32 v8  }
0x186: {  	v17 =	vld [tilespmem:$0x1FFA0];
	v3 =	vsub.f32 v3, v16;
	v4 =	vmul.f32 $1.442695020e+00, v4;
	v8 =	vpop (erf)  }
0x187: {  	(erf) = vpow2.f32 v9;
	v6 =	vld.idx.msk [tilespmem:v6+s2+$0x0], $0xffff;
	v5 =	vadd.f32 v8, v5  }
0x188: {  	v0 =	vmov v16;
	v2 =	vsub.f32 v2, v16;
	v3 =	vmul.f32 $1.442695020e+00, v3;
	v16 =	vld [tilespmem:$0x1FFC0];
	v9 =	vpop (erf)  }
0x189: {  	v8 =	vadd.s32 s15, v33;
	(erf) = vpow2.f32 v4;
	v5 =	vadd.f32 v9, v5;
	v10 =	vld.idx.msk [tilespmem:v10+s2+$0x0], $0xffff  }
0x18a: {  	v7 =	vsub.f32 v7, v0;
	v2 =	vmul.f32 $1.442695020e+00, v2;
	v9 =	vadd.s32 s15, v60;
	v4 =	vpop (erf)  }
0x18b: {  	v23 =	vld [tilespmem:$0x1FFE0];
	(erf) = vpow2.f32 v3;
	v4 =	vadd.f32 v4, v5  }
0x18c: {  	v63 =	vld [tilespmem:$0x1FFF0];
	v3 =	vpop (erf);
	v7 =	vmul.f32 $1.442695020e+00, v7;
	(erf) = vpow2.f32 v2  }
0x18d: {  	v62 =	vld [tilespmem:$0x1FFD0];
	v5 =	vadd.s32 s15, v16;
	v6 =	vsub.f32 v6, v0;
	v3 =	vadd.f32 v3, v4  }
0x18e: {  	v8 =	vld.idx.msk [tilespmem:v8+s2+$0x0], $0xffff;
	v4 =	vadd.s32 s15, v17;
	v2 =	vsub.f32 v10, v0;
	v10 =	vpop (erf)  }
0x18f: {  	v6 =	vmul.f32 $1.442695020e+00, v6;
	v9 =	vld.idx.msk [tilespmem:v9+s2+$0x0], $0xffff;
	(erf) = vpow2.f32 v7;
	v3 =	vadd.f32 v10, v3  }
0x190: {  	v7 =	vadd.s32 s15, v23;
	v10 =	vpop (erf)  }
0x191: {  	(erf) = vpow2.f32 v6;
	v2 =	vmul.f32 $1.442695020e+00, v2;
	v3 =	vadd.f32 v10, v3  }
0x192: {  	v6 =	vadd.s32 s16, v62;
	v5 =	vld.idx.msk [tilespmem:v5+s2+$0x0], $0xffff;
	v10 =	vpop (erf)  }
0x193: {  	v8 =	vsub.f32 v8, v0;
	v4 =	vld.idx.msk [tilespmem:v4+s2+$0x0], $0xffff;
	(erf) = vpow2.f32 v2;
	v3 =	vadd.f32 v10, v3  }
0x194: {  	v2 =	vadd.s32 s15, v63;
	v9 =	vsub.f32 v9, v0;
	v10 =	vpop (erf)  }
0x195: {  	v8 =	vmul.f32 $1.442695020e+00, v8;
	v7 =	vld.idx.msk [tilespmem:v7+s2+$0x0], $0xffff;
	v3 =	vadd.f32 v10, v3  }
0x196: {  	v18 =	vld [tilespmem:$0x1FFB0];
	v9 =	vmul.f32 $1.442695020e+00, v9;
	v10 =	vpop (erf)  }
0x197: {  	v6 =	vld.idx.msk [tilespmem:v6+s2+$0x0], $0xffff;
	v5 =	vsub.f32 v5, v0;
	(erf) = vpow2.f32 v8;
	v3 =	vadd.f32 v10, v3  }
0x198: {  	v4 =	vsub.f32 v4, v0;
	(erf) = vpow2.f32 v9;
	v9 =	vld [tilespmem:$0x1FEB0];
	v10 =	vpop (erf)  }
0x199: {  	v5 =	vmul.f32 $1.442695020e+00, v5;
	v2 =	vld.idx.msk [tilespmem:v2+s2+$0x0], $0xffff;
	v3 =	vadd.f32 v10, v3  }
0x19a: {  	v57 =	vld [tilespmem:$0x1FF90];
	v7 =	vsub.f32 v7, v0;
	v4 =	vmul.f32 $1.442695020e+00, v4;
	v10 =	vpop (erf)  }
0x19b: {  	v8 =	vadd.s32 s15, v18;
	(erf) = vpow2.f32 v5;
	v3 =	vadd.f32 v10, v3  }
0x19c: {  	v6 =	vsub.f32 v6, v0;
	v7 =	vmul.f32 $1.442695020e+00, v7;
	(erf) = vpow2.f32 v4;
	v4 =	vld [tilespmem:$0x1FEC0];
	v10 =	vpop (erf)  }
0x19d: {  	v3 =	vadd.f32 v10, v3;
	v10 =	vld [tilespmem:$0x1FED0]  }
0x19e: {  	v6 =	vmul.f32 $1.442695020e+00, v6;
	v9 =	vadd.s32 s15, v9;
	v2 =	vsub.f32 v2, v0  }
0x19f: {  	v5 =	vadd.s32 s15, v57  }
0x1a0: {  	v8 =	vld.idx.msk [tilespmem:v8+s2+$0x0], $0xffff;
	(erf) = vpow2.f32 v7;
	v7 =	vpop (erf);
	v2 =	vmul.f32 $1.442695020e+00, v2  }
0x1a1: {  	v3 =	vadd.f32 v7, v3;
	v7 =	vld [tilespmem:$0x1FEE0];
	v4 =	vadd.s32 s15, v4  }
0x1a2: {  	v11 =	vld [tilespmem:$0x1FF40];
	(erf) = vpow2.f32 v6;
	v6 =	vpop (erf);
	v10 =	vadd.s32 s15, v10  }
0x1a3: {  	v9 =	vld.idx.msk [tilespmem:v9+s2+$0x0], $0xffff;
	v3 =	vadd.f32 v6, v3  }
0x1a4: {  	v5 =	vld.idx.msk [tilespmem:v5+s2+$0x0], $0xffff;
	(erf) = vpow2.f32 v2;
	v2 =	vpop (erf)  }
0x1a5: {  	v8 =	vsub.f32 v8, v0;
	v2 =	vadd.f32 v2, v3;
	v3 =	vld [tilespmem:$0x1FEF0]  }
0x1a6: {  	v7 =	vadd.s32 s15, v7;
	v4 =	vld.idx.msk [tilespmem:v4+s2+$0x0], $0xffff  }
0x1a7: {  	v8 =	vmul.f32 $1.442695020e+00, v8;
	v10 =	vld.idx.msk [tilespmem:v10+s2+$0x0], $0xffff  }
0x1a8: {  	v9 =	vsub.f32 v9, v0  }
0x1a9: {  	v6 =	vadd.s32 s15, v11  }
0x1aa: {  	v5 =	vsub.f32 v5, v0;
	v3 =	vadd.s32 s15, v3;
	v9 =	vmul.f32 $1.442695020e+00, v9  }
0x1ab: {  	(erf) = vpow2.f32 v8;
	v8 =	vpop (erf);
	v7 =	vld.idx.msk [tilespmem:v7+s2+$0x0], $0xffff;
	v4 =	vsub.f32 v4, v0  }
0x1ac: {  	v5 =	vmul.f32 $1.442695020e+00, v5;
	v2 =	vadd.f32 v8, v2;
	v8 =	vsub.f32 v10, v0  }
0x1ad: {  	(erf) = vpow2.f32 v9;
	v4 =	vmul.f32 $1.442695020e+00, v4  }
0x1ae: {  	v6 =	vld.idx.msk [tilespmem:v6+s2+$0x0], $0xffff;
	v9 =	vpop (erf);
	(erf) = vpow2.f32 v5;
	v5 =	vmul.f32 $1.442695020e+00, v8  }
0x1af: {  	v2 =	vadd.f32 v9, v2;
	v3 =	vld.idx.msk [tilespmem:v3+s2+$0x0], $0xffff  }
0x1b0: {  	(erf) = vpow2.f32 v4;
	v4 =	vsub.f32 v7, v0;
	v8 =	vpop (erf)  }
0x1b1: {  	v2 =	vadd.f32 v8, v2  }
0x1b2: {  	(erf) = vpow2.f32 v5;
	v4 =	vmul.f32 $1.442695020e+00, v4;
	v5 =	vpop (erf)  }
0x1b3: {  	v6 =	vsub.f32 v6, v0;
	v2 =	vadd.f32 v5, v2  }
0x1b4: {  	v3 =	vsub.f32 v3, v0;
	v5 =	vpop (erf)  }
0x1b5: {  	v6 =	vmul.f32 $1.442695020e+00, v6;
	(erf) = vpow2.f32 v4;
	v2 =	vadd.f32 v5, v2  }
0x1b6: {  	v4 =	vpop (erf);
	v3 =	vmul.f32 $1.442695020e+00, v3  }
0x1b7: {  	(erf) = vpow2.f32 v6;
	v2 =	vadd.f32 v4, v2  }
0x1b8: {  	v4 =	vpop (erf)  }
0x1b9: {  	(erf) = vpow2.f32 v3;
	v2 =	vadd.f32 v4, v2  }
0x1ba: {  	v3 =	vpop (erf)  }
0x1bb: {  	v2 =	vadd.f32 v3, v2  }
0x1bc: {  	v3 =	vpop (erf)  }
0x1bd: {  	v2 =	vadd.f32 v3, v2  }
0x1be: {  	v3 =	vpop (erf)  }
0x1bf: {  	v2 =	vadd.f32 v3, v2  }
0x1c0: {  	v3 =	vpop (erf)  }
0x1c1: {  	v2 =	vadd.f32 v3, v2  }
0x1c2: {  	v3 =	vpop (erf)  }
0x1c3: {  	v2 =	vadd.f32 v3, v2;
	_ =	sdelay $0x1  }
0x1c4: {  	v3 =	vand.u32 $0x7FFFFF, v2  }
0x1c5: {  	v3 =	vor.u32 $0x3F800000, v3  }
0x1c6: {  	v4 =	vmul.f32 $5.000000000e-01, v3  }
0x1c7: {  	vm1 =	vge.f32 v3, $1.414213540e+00  }
0x1c8: {  	v3 =	vsel vm1, v4, v3  }
0x1c9: {  	v4 =	vadd.f32 $1.000000000e+00, v3;
	_ =	sdelay $0x1  }
0x1ca: {  	(erf) = vrcp.f32 v4;
	_ =	sdelay $0x5  }
0x1cb: {  	v4 =	vadd.f32 $-1.000000000e+00, v13;
	_ =	sdelay $0x1  }
0x1cc: {  	v3 =	vadd.f32 $-1.000000000e+00, v3;
	v0 =	vmul.f32 v12, v4  }
0x1cd: {  	v5 =	vpop (erf)  }
0x1ce: {  	v4 =	vmul.f32 v0, v0;
	v3 =	vmul.f32 v5, v3;
	_ =	sdelay $0x1  }
0x1cf: {  	v5 =	vmul.f32 $2.857142980e-01, v4;
	v6 =	vmul.f32 v3, v3;
	_ =	sdelay $0x1  }
0x1d0: {  	v5 =	vadd.f32 $4.000000060e-01, v5;
	v7 =	vmul.f32 $2.857142980e-01, v6;
	_ =	sdelay $0x1  }
0x1d1: {  	v5 =	vmul.f32 v5, v4;
	v7 =	vadd.f32 $4.000000060e-01, v7  }
0x1d2: {  	v10 =	vimm.s32 $0x0;
	v9 =	vshra.s32 v59, $0x17  }
0x1d3: {  	v8 =	vsel vm0, $0x1, v10;
	v5 =	vadd.f32 $6.666666860e-01, v5;
	v7 =	vmul.f32 v7, v6  }
0x1d4: {  	v8 =	vadd.s32 v8, v9  }
0x1d5: {  	(erf) = vrcp.f32 v2;
	v4 =	vmul.f32 v5, v4;
	v7 =	vadd.f32 $6.666666860e-01, v7  }
0x1d6: {  	v2 =	vshra.s32 v2, $0x17;
	v5 =	vadd.s32 $0xFFFFFF81, v8  }
0x1d7: {  	v4 =	vadd.f32 $2.000000000e+00, v4;
	v6 =	vmul.f32 v7, v6;
	v7 =	vsel vm1, $0x1, v10  }
0x1d8: {  	v5 =	vcvt.s32.f32 v5;
	v2 =	vadd.s32 v7, v2  }
0x1d9: {  	v1 =	vsub.f32 $1.000000000e+00, v1;
	v0 =	vmul.f32 v4, v0;
	v2 =	vadd.s32 $0xFFFFFF81, v2  }
0x1da: {  	v4 =	vmul.f32 $6.931471820e-01, v5;
	v5 =	vadd.f32 $2.000000000e+00, v6;
	v2 =	vcvt.s32.f32 v2  }
0x1db: {  	v1 =	vmul.f32 v1, v1  }
0x1dc: {  	v0 =	vadd.f32 v0, v4;
	v3 =	vmul.f32 v5, v3;
	v2 =	vmul.f32 $6.931471820e-01, v2;
	_ =	sdelay $0x1  }
0x1dd: {  	v4 =	vpop (erf);
	v0 =	vmul.f32 v0, v1;
	v1 =	vadd.f32 v3, v2;
	v3 =	vld [tilespmem:$0x1FE80]  }
0x1de: {  	v4 =	vsub.f32 $1.000000000e+00, v4;
	_ =	sdelay $0x1  }
0x1df: {  	v2 =	vmul.f32 v4, v4;
	_ =	sdelay $0x1  }
0x1e0: {  	v1 =	vmul.f32 v1, v2;
	v0 =	vadd.f32 v0, v3  }
0x1e1: {  	v7 =	vld [tilespmem:$0x1FF80]  }
0x1e2: {  	v4 =	vld [tilespmem:$0x1FF70];
	v0 =	vadd.f32 v1, v0  }
0x1e3: {  	p1 =	seq.s32 s14, $0x20  }
.Ltmp1:
0x1e4: {  	_ = 	snop;
	(pc) =	sbr.rel @!p1 .LBB2_3-.Ltmp1, $2  }
0x1e5: {  	_ =	sdelay $0x2  }
0x1e6: {  	v5 =	vmov v15;
	v15 =	vmov v57;
	p0 =	por !p0, !p0  }
0x1e7: {  	s13 =	sadd.s32 $0x1, s13  }
0x1e8: {  	p0 =	sne.s32 s13, s8  }
.Ltmp2:
0x1e9: {  	[tilespmem:$0x12400] =	vst v0;
	(pc) =	sbr.rel @p0 .LBB2_1-.Ltmp2, $4  }
0x1ea: {  	[hbm4b:s7+s2] =	stream.linear.scatter [tilespmem:s11], [sflag:$0x4], $0x80, $0x38;
	[tilespmem:$0x12480] =	vst v63  }
0x1eb: {  	_ =	swait.ge [sflag:s12], $0x80  }
0x1ec: {  	[sflag:s12] =	ssyncset.done $0x0  }
0x1ed: {  	[sflag:s12] =	ssyncadd.s32 $0xFFFFFF80  }
0x1ee: {  	_ =	sfence.sel $0x180000  }
0x1ef: {  	[bflag:$0x0] =	sbarrier.arrive $0xFFFF  }
0x1f0: {  	p0 =	sne.s32 s0, $0x0;
	_ =	strace $0x90000047  }
0x1f1: {  	s0 =	sadd.s32 @!p0 $0x100000, s1;
	[bflag:$0x2] =	sbarrier.arrive $0xFFFF  }
0x1f2: {  	[sflag:s0] =	ssyncadd.tile.s32 @!p0 $0x1;
	_ =	shalt  }
.Lfunc_end2:
_tile_overlayer_lowered:
.L_overlay_start_2:
0x1f3: {  	(tag) =	ssettag $0x2  }
0x1f4: {  	s0 =	rddreg [dreg:$0x0];
	s2 =	stileid.u32  }
0x1f5: {  	s1 =	rddreg [dreg:$0x1];
	p0 =	sne.s32 s2, $0x0  }
0x1f6: {  	s3 =	rddreg [dreg:$0x2];
	[bflag:$0x3] =	sbarrier.arrive $0xFFFF;
	s2 =	simm.s32 @!p0 $0x1C04  }
0x1f7: {  	[timem:s3], [sflag:s2] =	dma.local @!p0 [hbm:s0], s1  }
0x1f8: {  	s0 =	simm.s32 @!p0 $0x4  }
0x1f9: {  	_ =	swait.ge @!p0 [sflag:s0], s1  }
0x1fa: {  	s1 =	ssub.s32 @!p0 $0x0, s1;
	[sflag:s0] =	ssyncset.done @!p0 $0x0  }
0x1fb: {  	[sflag:s0] =	ssyncadd.s32 @!p0 s1  }
0x1fc: {  	[bflag:$0x3] =	sbarrier.arrive $0xFFFF  }
0x1fd: {  	_ =	shalt  }

</sc_bundles>
